<compile_context>
chip_gen: v7x
topology: tpu7x:2x2x1
jax: 0.10.2.dev20260603
libtpu: 0.0.44.dev20260713+nightly
codegen_flags: <defaults>
</compile_context>

<pallas_src>
import jax
import jax.numpy as jnp
from jax import lax
from jax.experimental import pallas as pl
from jax.experimental.pallas import tpu as pltpu
from jax.experimental.pallas import tpu_sc as plsc

N_NODES = 100000
N_EDGES = 6400000

NC = 2
NS = 16
L = 16
NW = NC * NS
D = 8

E_PER_W = N_EDGES // NW
B = 2000
NCHUNKS = E_PER_W // B
MACRO = B * 3 // (3 * L)


def _body(R_hbm, off_hbm, idx_i_hbm, idx_j_hbm, out_hbm,
          shared_R, idx_i_v, idx_j_v, off_v, posi_v, posj_v, sem):
  cid = lax.axis_index("c")
  sid = lax.axis_index("s")
  wid = sid * NC + cid

  @pl.when(sid == 0)
  def _():
    pltpu.sync_copy(R_hbm, shared_R)
  plsc.subcore_barrier()

  lanes = lax.iota(jnp.int32, L)
  rowp = []
  colp = []
  for j in range(3):
    flat = lanes + (16 * j)
    r = (flat * 21846) >> 16
    rowp.append(r)
    colp.append(flat - r * 3)

  def chunk_body(t, carry):
    base = wid * E_PER_W + t * B
    pltpu.sync_copy(idx_i_hbm.at[pl.ds(base, B)], idx_i_v)
    pltpu.sync_copy(idx_j_hbm.at[pl.ds(base, B)], idx_j_v)
    pltpu.sync_copy(off_hbm.at[pl.ds(base * 3, B * 3)], off_v)
    pltpu.async_copy(shared_R.at[idx_i_v], posi_v, sem).wait()
    pltpu.async_copy(shared_R.at[idx_j_v], posj_v, sem).wait()

    def macro_body(k, c2):
      row_base = k * L
      for j in range(3):
        rows = rowp[j] + row_base
        pj = plsc.load_gather(posj_v, [rows, colp[j]])
        pi = plsc.load_gather(posi_v, [rows, colp[j]])
        w = k * (3 * L) + j * L
        off_v[pl.ds(w, L)] = off_v[pl.ds(w, L)] + (pj - pi)
      return c2

    lax.fori_loop(0, MACRO, macro_body, 0, unroll=2)
    pltpu.sync_copy(off_v, out_hbm.at[pl.ds(base * 3, B * 3)])
    return carry

  lax.fori_loop(0, NCHUNKS, chunk_body, 0)


@jax.jit
def kernel(R, offsets, idx_i, idx_j):
  mesh = plsc.VectorSubcoreMesh(core_axis_name="c", subcore_axis_name="s",
                                num_cores=NC, num_subcores=NS)
  R_pad = jnp.pad(R, ((0, 0), (0, D - 3)))
  out_flat = pl.kernel(
      _body,
      out_type=jax.ShapeDtypeStruct((N_EDGES * 3,), jnp.float32),
      mesh=mesh,
      compiler_params=pltpu.CompilerParams(use_tc_tiling_on_sc=False,
                                           needs_layout_passes=False),
      scratch_types=[
          pltpu.VMEM_SHARED((N_NODES, D), jnp.float32),
          pltpu.VMEM((B,), jnp.int32),
          pltpu.VMEM((B,), jnp.int32),
          pltpu.VMEM((B * 3,), jnp.float32),
          pltpu.VMEM((B, D), jnp.float32),
          pltpu.VMEM((B, D), jnp.float32),
          pltpu.SemaphoreType.DMA,
      ],
  )(R_pad, offsets.reshape(-1), idx_i, idx_j)
  return out_flat.reshape(N_EDGES, 3)

# --- scband reference (transcript-rebuilt; emitter-appended) ---
"""Pipeline reference for scband-pairwise-distances-ipu-48026324304295 (READ-ONLY COPY).

The authoritative reference and input builder live on the scoring server;
editing this copy changes nothing except your own understanding.
"""

import jax, jax.numpy as jnp
import numpy as np

N_NODES = 100000
N_EDGES = 6400000


def setup_inputs(seed: int = 0) -> dict:
    key = jax.random.key(seed)
    k1, k2, k3, k4 = jax.random.split(key, 4)
    R = jax.random.normal(k1, (N_NODES, 3), dtype=jnp.float32)
    offsets = jax.random.normal(k2, (N_EDGES, 3), dtype=jnp.float32)
    idx_i = jax.random.randint(k3, (N_EDGES,), 0, N_NODES, dtype=jnp.int64 if jax.config.jax_enable_x64 else jnp.int32)
    idx_j = jax.random.randint(k4, (N_EDGES,), 0, N_NODES, dtype=jnp.int64 if jax.config.jax_enable_x64 else jnp.int32)
    return {"R": R, "offsets": offsets, "idx_i": idx_i, "idx_j": idx_j}


def reference(R, offsets, idx_i, idx_j):
    # PairwiseDistancesIPU.forward:
    #   pos_i = R[idx_i]; pos_j = R[idx_j]
    #   Rij = pos_j - pos_i + offsets
    pos_i = jnp.take(R, idx_i, axis=0)
    pos_j = jnp.take(R, idx_j, axis=0)
    Rij = pos_j - pos_i + offsets
    return Rij

if __name__ == "__main__":
    import jax
    _d = setup_inputs()
    print(jax.jit(kernel)(*tuple(_d.values())))

</pallas_src>

<mosaic_0001>
#map = affine_map<(d0, d1) -> (0, 0)>
#map1 = affine_map<(d0, d1) -> (0)>
module attributes {stable_mosaic.version = 14 : i64} {
  func.func @_body(%arg0: i32, %arg1: i32, %arg2: memref<100000x8xf32, #tpu.memory_space<hbm>>, %arg3: memref<19200000xf32, #tpu.memory_space<hbm>>, %arg4: memref<6400000xi32, #tpu.memory_space<hbm>>, %arg5: memref<6400000xi32, #tpu.memory_space<hbm>>, %arg6: memref<19200000xf32, #tpu.memory_space<hbm>>, %arg7: memref<100000x8xf32, #tpu.memory_space<vmem_shared>>, %arg8: memref<2000xi32, #tpu.memory_space<vmem>>, %arg9: memref<2000xi32, #tpu.memory_space<vmem>>, %arg10: memref<6000xf32, #tpu.memory_space<vmem>>, %arg11: memref<2000x8xf32, #tpu.memory_space<vmem>>, %arg12: memref<2000x8xf32, #tpu.memory_space<vmem>>, %arg13: memref<!tpu.dma_semaphore, #tpu.memory_space<semaphore_mem>>) attributes {dimension_semantics = [#tpu.dimension_semantics<core_parallel>, #tpu.dimension_semantics<subcore_parallel>], iteration_bounds = array<i64: 2, 16>, scalar_prefetch = 0 : i64, scratch_operands = 7 : i64, tpu.core_type = #tpu.core_type<sc_vector_subcore>, window_params = [{transform_indices = #map}, {transform_indices = #map1}, {transform_indices = #map1}, {transform_indices = #map1}, {transform_indices = #map1}]} {
    %mul3A = arith.constant 2 : i32
    %mul3A_0 = arith.muli %arg1, %mul3A : i32
    %add3A = arith.addi %mul3A_0, %arg0 : i32
    %eq3A = arith.constant 0 : i32
    %eq3A_1 = arith.cmpi eq, %arg1, %eq3A : i32
    %convert_element_type3A = arith.extui %eq3A_1 : i1 to i32
    %cond3A = arith.constant 0 : i32
    %cond3A_2 = arith.cmpi ne, %convert_element_type3A, %cond3A : i32
    scf.if %cond3A_2 {
      "tpu.region"() ({
        %run_scoped3A = tpu.sem_alloc : memref<!tpu.dma_semaphore, #tpu.memory_space<semaphore_mem>>
        tpu.enqueue_dma source(%arg2 : memref<100000x8xf32, #tpu.memory_space<hbm>>) target(%arg7 : memref<100000x8xf32, #tpu.memory_space<vmem_shared>>) target_semaphore(%run_scoped3A : memref<!tpu.dma_semaphore, #tpu.memory_space<semaphore_mem>>)
        tpu.wait_dma2 semaphore(%run_scoped3A : memref<!tpu.dma_semaphore, #tpu.memory_space<semaphore_mem>>) src(%arg2 : memref<100000x8xf32, #tpu.memory_space<hbm>>) dst(%arg7 : memref<100000x8xf32, #tpu.memory_space<vmem_shared>>)
        tpu.yield
      }) : () -> ()
    } else {
    }
    %barrier3A = arith.constant 0 : index
    tpu.barrier barrier_id(%barrier3A)
    %iota3A = tpu.iota {dimensions = array<i32: 0>} : vector<16xi32>
    %add3A_3 = arith.constant 0 : i32
    %add3A_4 = vector.broadcast %add3A_3 : i32 to vector<16xi32>
    %add3A_5 = arith.addi %iota3A, %add3A_4 : vector<16xi32>
    %mul3A_6 = arith.constant 21846 : i32
    %mul3A_7 = vector.broadcast %mul3A_6 : i32 to vector<16xi32>
    %mul3A_8 = arith.muli %add3A_5, %mul3A_7 : vector<16xi32>
    %shift_right_arithmetic3A = arith.constant 16 : i32
    %shift_right_arithmetic3A_9 = vector.broadcast %shift_right_arithmetic3A : i32 to vector<16xi32>
    %shift_right_arithmetic3A_10 = arith.shrsi %mul3A_8, %shift_right_arithmetic3A_9 : vector<16xi32>
    %mul3A_11 = arith.constant 3 : i32
    %mul3A_12 = vector.broadcast %mul3A_11 : i32 to vector<16xi32>
    %mul3A_13 = arith.muli %shift_right_arithmetic3A_10, %mul3A_12 : vector<16xi32>
    %sub3A = arith.subi %add3A_5, %mul3A_13 : vector<16xi32>
    %add3A_14 = arith.constant 16 : i32
    %add3A_15 = vector.broadcast %add3A_14 : i32 to vector<16xi32>
    %add3A_16 = arith.addi %iota3A, %add3A_15 : vector<16xi32>
    %mul3A_17 = arith.constant 21846 : i32
    %mul3A_18 = vector.broadcast %mul3A_17 : i32 to vector<16xi32>
    %mul3A_19 = arith.muli %add3A_16, %mul3A_18 : vector<16xi32>
    %shift_right_arithmetic3A_20 = arith.constant 16 : i32
    %shift_right_arithmetic3A_21 = vector.broadcast %shift_right_arithmetic3A_20 : i32 to vector<16xi32>
    %shift_right_arithmetic3A_22 = arith.shrsi %mul3A_19, %shift_right_arithmetic3A_21 : vector<16xi32>
    %mul3A_23 = arith.constant 3 : i32
    %mul3A_24 = vector.broadcast %mul3A_23 : i32 to vector<16xi32>
    %mul3A_25 = arith.muli %shift_right_arithmetic3A_22, %mul3A_24 : vector<16xi32>
    %sub3A_26 = arith.subi %add3A_16, %mul3A_25 : vector<16xi32>
    %add3A_27 = arith.constant 32 : i32
    %add3A_28 = vector.broadcast %add3A_27 : i32 to vector<16xi32>
    %add3A_29 = arith.addi %iota3A, %add3A_28 : vector<16xi32>
    %mul3A_30 = arith.constant 21846 : i32
    %mul3A_31 = vector.broadcast %mul3A_30 : i32 to vector<16xi32>
    %mul3A_32 = arith.muli %add3A_29, %mul3A_31 : vector<16xi32>
    %shift_right_arithmetic3A_33 = arith.constant 16 : i32
    %shift_right_arithmetic3A_34 = vector.broadcast %shift_right_arithmetic3A_33 : i32 to vector<16xi32>
    %shift_right_arithmetic3A_35 = arith.shrsi %mul3A_32, %shift_right_arithmetic3A_34 : vector<16xi32>
    %mul3A_36 = arith.constant 3 : i32
    %mul3A_37 = vector.broadcast %mul3A_36 : i32 to vector<16xi32>
    %mul3A_38 = arith.muli %shift_right_arithmetic3A_35, %mul3A_37 : vector<16xi32>
    %sub3A_39 = arith.subi %add3A_29, %mul3A_38 : vector<16xi32>
    %scan3A = arith.constant 0 : i32
    %scan3A_40 = arith.constant 0 : i32
    %scan3A_41 = arith.constant 100 : i32
    %scan3A_42 = arith.addi %scan3A_40, %scan3A_41 : i32
    %scan3A_43 = arith.constant 1 : i32
    scf.for %scan3A_45 = %scan3A_40 to %scan3A_42 step %scan3A_43  : i32 {
      %mul3A_46 = arith.constant 200000 : i32
      %mul3A_47 = arith.muli %add3A, %mul3A_46 : i32
      %mul3A_48 = arith.constant 2000 : i32
      %mul3A_49 = arith.muli %scan3A_45, %mul3A_48 : i32
      %add3A_50 = arith.addi %mul3A_47, %mul3A_49 : i32
      "tpu.region"() ({
        %run_scoped3A = tpu.sem_alloc : memref<!tpu.dma_semaphore, #tpu.memory_space<semaphore_mem>>
        %dma_start3A_114 = tpu.memref_slice %arg4[%add3A_50] : memref<6400000xi32, #tpu.memory_space<hbm>> -> memref<2000xi32, #tpu.memory_space<hbm>>
        %dma_start3A_115 = tpu.memref_slice %arg4[%add3A_50] : memref<6400000xi32, #tpu.memory_space<hbm>> -> memref<2000xi32, #tpu.memory_space<hbm>>
        tpu.enqueue_dma source(%dma_start3A_115 : memref<2000xi32, #tpu.memory_space<hbm>>) target(%arg8 : memref<2000xi32, #tpu.memory_space<vmem>>) target_semaphore(%run_scoped3A : memref<!tpu.dma_semaphore, #tpu.memory_space<semaphore_mem>>)
        %dma_wait3A_116 = tpu.memref_slice %arg4[%add3A_50] : memref<6400000xi32, #tpu.memory_space<hbm>> -> memref<2000xi32, #tpu.memory_space<hbm>>
        %dma_wait3A_117 = tpu.memref_slice %arg4[%add3A_50] : memref<6400000xi32, #tpu.memory_space<hbm>> -> memref<2000xi32, #tpu.memory_space<hbm>>
        tpu.wait_dma2 semaphore(%run_scoped3A : memref<!tpu.dma_semaphore, #tpu.memory_space<semaphore_mem>>) src(%dma_wait3A_117 : memref<2000xi32, #tpu.memory_space<hbm>>) dst(%arg8 : memref<2000xi32, #tpu.memory_space<vmem>>)
        tpu.yield
      }) : () -> ()
      "tpu.region"() ({
        %run_scoped3A = tpu.sem_alloc : memref<!tpu.dma_semaphore, #tpu.memory_space<semaphore_mem>>
        %dma_start3A_114 = tpu.memref_slice %arg5[%add3A_50] : memref<6400000xi32, #tpu.memory_space<hbm>> -> memref<2000xi32, #tpu.memory_space<hbm>>
        %dma_start3A_115 = tpu.memref_slice %arg5[%add3A_50] : memref<6400000xi32, #tpu.memory_space<hbm>> -> memref<2000xi32, #tpu.memory_space<hbm>>
        tpu.enqueue_dma source(%dma_start3A_115 : memref<2000xi32, #tpu.memory_space<hbm>>) target(%arg9 : memref<2000xi32, #tpu.memory_space<vmem>>) target_semaphore(%run_scoped3A : memref<!tpu.dma_semaphore, #tpu.memory_space<semaphore_mem>>)
        %dma_wait3A_116 = tpu.memref_slice %arg5[%add3A_50] : memref<6400000xi32, #tpu.memory_space<hbm>> -> memref<2000xi32, #tpu.memory_space<hbm>>
        %dma_wait3A_117 = tpu.memref_slice %arg5[%add3A_50] : memref<6400000xi32, #tpu.memory_space<hbm>> -> memref<2000xi32, #tpu.memory_space<hbm>>
        tpu.wait_dma2 semaphore(%run_scoped3A : memref<!tpu.dma_semaphore, #tpu.memory_space<semaphore_mem>>) src(%dma_wait3A_117 : memref<2000xi32, #tpu.memory_space<hbm>>) dst(%arg9 : memref<2000xi32, #tpu.memory_space<vmem>>)
        tpu.yield
      }) : () -> ()
      %mul3A_51 = arith.constant 3 : i32
      %mul3A_52 = arith.muli %add3A_50, %mul3A_51 : i32
      "tpu.region"() ({
        %run_scoped3A = tpu.sem_alloc : memref<!tpu.dma_semaphore, #tpu.memory_space<semaphore_mem>>
        %dma_start3A_114 = tpu.memref_slice %arg3[%mul3A_52] : memref<19200000xf32, #tpu.memory_space<hbm>> -> memref<6000xf32, #tpu.memory_space<hbm>>
        %dma_start3A_115 = tpu.memref_slice %arg3[%mul3A_52] : memref<19200000xf32, #tpu.memory_space<hbm>> -> memref<6000xf32, #tpu.memory_space<hbm>>
        tpu.enqueue_dma source(%dma_start3A_115 : memref<6000xf32, #tpu.memory_space<hbm>>) target(%arg10 : memref<6000xf32, #tpu.memory_space<vmem>>) target_semaphore(%run_scoped3A : memref<!tpu.dma_semaphore, #tpu.memory_space<semaphore_mem>>)
        %dma_wait3A_116 = tpu.memref_slice %arg3[%mul3A_52] : memref<19200000xf32, #tpu.memory_space<hbm>> -> memref<6000xf32, #tpu.memory_space<hbm>>
        %dma_wait3A_117 = tpu.memref_slice %arg3[%mul3A_52] : memref<19200000xf32, #tpu.memory_space<hbm>> -> memref<6000xf32, #tpu.memory_space<hbm>>
        tpu.wait_dma2 semaphore(%run_scoped3A : memref<!tpu.dma_semaphore, #tpu.memory_space<semaphore_mem>>) src(%dma_wait3A_117 : memref<6000xf32, #tpu.memory_space<hbm>>) dst(%arg10 : memref<6000xf32, #tpu.memory_space<vmem>>)
        tpu.yield
      }) : () -> ()
      %dma_start3A = arith.constant 0 : i32
      %dma_start3A_53 = arith.constant 0 : i32
      %dma_start3A_54 = tpu.memref_slice %arg7[%dma_start3A, %dma_start3A_53] : memref<100000x8xf32, #tpu.memory_space<vmem_shared>> -> memref<100000x8xf32, #tpu.memory_space<vmem_shared>>
      tpu.enqueue_indirect_dma source(%dma_start3A_54 : memref<100000x8xf32, #tpu.memory_space<vmem_shared>>) target(%arg11 : memref<2000x8xf32, #tpu.memory_space<vmem>>) offsets(%arg8 : memref<2000xi32, #tpu.memory_space<vmem>>) semaphore(%arg13 : memref<!tpu.dma_semaphore, #tpu.memory_space<semaphore_mem>>)
      %dma_wait3A = arith.constant 0 : i32
      %dma_wait3A_55 = arith.constant 0 : i32
      %dma_wait3A_56 = tpu.memref_slice %arg7[%dma_wait3A, %dma_wait3A_55] : memref<100000x8xf32, #tpu.memory_space<vmem_shared>> -> memref<100000x8xf32, #tpu.memory_space<vmem_shared>>
      tpu.wait_indirect_dma semaphore(%arg13 : memref<!tpu.dma_semaphore, #tpu.memory_space<semaphore_mem>>) src(%dma_wait3A_56 : memref<100000x8xf32, #tpu.memory_space<vmem_shared>>) dst(%arg11 : memref<2000x8xf32, #tpu.memory_space<vmem>>)
      %dma_start3A_57 = arith.constant 0 : i32
      %dma_start3A_58 = arith.constant 0 : i32
      %dma_start3A_59 = tpu.memref_slice %arg7[%dma_start3A_57, %dma_start3A_58] : memref<100000x8xf32, #tpu.memory_space<vmem_shared>> -> memref<100000x8xf32, #tpu.memory_space<vmem_shared>>
      tpu.enqueue_indirect_dma source(%dma_start3A_59 : memref<100000x8xf32, #tpu.memory_space<vmem_shared>>) target(%arg12 : memref<2000x8xf32, #tpu.memory_space<vmem>>) offsets(%arg9 : memref<2000xi32, #tpu.memory_space<vmem>>) semaphore(%arg13 : memref<!tpu.dma_semaphore, #tpu.memory_space<semaphore_mem>>)
      %dma_wait3A_60 = arith.constant 0 : i32
      %dma_wait3A_61 = arith.constant 0 : i32
      %dma_wait3A_62 = tpu.memref_slice %arg7[%dma_wait3A_60, %dma_wait3A_61] : memref<100000x8xf32, #tpu.memory_space<vmem_shared>> -> memref<100000x8xf32, #tpu.memory_space<vmem_shared>>
      tpu.wait_indirect_dma semaphore(%arg13 : memref<!tpu.dma_semaphore, #tpu.memory_space<semaphore_mem>>) src(%dma_wait3A_62 : memref<100000x8xf32, #tpu.memory_space<vmem_shared>>) dst(%arg12 : memref<2000x8xf32, #tpu.memory_space<vmem>>)
      %scan3A_63 = arith.constant 0 : i32
      %scan3A_64 = arith.constant 0 : i32
      %scan3A_65 = arith.constant 124 : i32
      %scan3A_66 = arith.addi %scan3A_64, %scan3A_65 : i32
      %scan3A_67 = arith.constant 2 : i32
      scf.for %scan3A_114 = %scan3A_64 to %scan3A_66 step %scan3A_67  : i32 {
        %mul3A_115 = arith.constant 16 : i32
        %mul3A_116 = arith.muli %scan3A_114, %mul3A_115 : i32
        %add3A_117 = vector.broadcast %mul3A_116 : i32 to vector<16xi32>
        %add3A_118 = arith.addi %shift_right_arithmetic3A_10, %add3A_117 : vector<16xi32>
        %gather3A_119 = tpu.vector_load_idx %arg12[%add3A_118, %sub3A] : memref<2000x8xf32, #tpu.memory_space<vmem>>[vector<16xi32>, vector<16xi32>], vector<16xf32>,
        %gather3A_120 = tpu.vector_load_idx %arg11[%add3A_118, %sub3A] : memref<2000x8xf32, #tpu.memory_space<vmem>>[vector<16xi32>, vector<16xi32>], vector<16xf32>,
        %mul3A_121 = arith.constant 48 : i32
        %mul3A_122 = arith.muli %scan3A_114, %mul3A_121 : i32
        %add3A_123 = arith.constant 0 : i32
        %add3A_124 = arith.addi %mul3A_122, %add3A_123 : i32
        %get3A_125 = arith.index_cast %add3A_124 : i32 to index
        %get3A_126 = tpu.vector_load %arg10[%get3A_125] {strides = array<i32>} : memref<6000xf32, #tpu.memory_space<vmem>>, vector<16xf32>,
        %sub3A_127 = arith.subf %gather3A_119, %gather3A_120 : vector<16xf32>
        %add3A_128 = arith.addf %get3A_126, %sub3A_127 : vector<16xf32>
        %swap3A_129 = arith.index_cast %add3A_124 : i32 to index
        %swap3A_130 = tpu.vector_load %arg10[%swap3A_129] {strides = array<i32>} : memref<6000xf32, #tpu.memory_space<vmem>>, vector<16xf32>,
        tpu.vector_store %arg10[%swap3A_129], %add3A_128 {strides = array<i32>} : memref<6000xf32, #tpu.memory_space<vmem>>, vector<16xf32>,
        %add3A_131 = vector.broadcast %mul3A_116 : i32 to vector<16xi32>
        %add3A_132 = arith.addi %shift_right_arithmetic3A_22, %add3A_131 : vector<16xi32>
        %gather3A_133 = tpu.vector_load_idx %arg12[%add3A_132, %sub3A_26] : memref<2000x8xf32, #tpu.memory_space<vmem>>[vector<16xi32>, vector<16xi32>], vector<16xf32>,
        %gather3A_134 = tpu.vector_load_idx %arg11[%add3A_132, %sub3A_26] : memref<2000x8xf32, #tpu.memory_space<vmem>>[vector<16xi32>, vector<16xi32>], vector<16xf32>,
        %mul3A_135 = arith.constant 48 : i32
        %mul3A_136 = arith.muli %scan3A_114, %mul3A_135 : i32
        %add3A_137 = arith.constant 16 : i32
        %add3A_138 = arith.addi %mul3A_136, %add3A_137 : i32
        %get3A_139 = arith.index_cast %add3A_138 : i32 to index
        %get3A_140 = tpu.vector_load %arg10[%get3A_139] {strides = array<i32>} : memref<6000xf32, #tpu.memory_space<vmem>>, vector<16xf32>,
        %sub3A_141 = arith.subf %gather3A_133, %gather3A_134 : vector<16xf32>
        %add3A_142 = arith.addf %get3A_140, %sub3A_141 : vector<16xf32>
        %swap3A_143 = arith.index_cast %add3A_138 : i32 to index
        %swap3A_144 = tpu.vector_load %arg10[%swap3A_143] {strides = array<i32>} : memref<6000xf32, #tpu.memory_space<vmem>>, vector<16xf32>,
        tpu.vector_store %arg10[%swap3A_143], %add3A_142 {strides = array<i32>} : memref<6000xf32, #tpu.memory_space<vmem>>, vector<16xf32>,
        %add3A_145 = vector.broadcast %mul3A_116 : i32 to vector<16xi32>
        %add3A_146 = arith.addi %shift_right_arithmetic3A_35, %add3A_145 : vector<16xi32>
        %gather3A_147 = tpu.vector_load_idx %arg12[%add3A_146, %sub3A_39] : memref<2000x8xf32, #tpu.memory_space<vmem>>[vector<16xi32>, vector<16xi32>], vector<16xf32>,
        %gather3A_148 = tpu.vector_load_idx %arg11[%add3A_146, %sub3A_39] : memref<2000x8xf32, #tpu.memory_space<vmem>>[vector<16xi32>, vector<16xi32>], vector<16xf32>,
        %mul3A_149 = arith.constant 48 : i32
        %mul3A_150 = arith.muli %scan3A_114, %mul3A_149 : i32
        %add3A_151 = arith.constant 32 : i32
        %add3A_152 = arith.addi %mul3A_150, %add3A_151 : i32
        %get3A_153 = arith.index_cast %add3A_152 : i32 to index
        %get3A_154 = tpu.vector_load %arg10[%get3A_153] {strides = array<i32>} : memref<6000xf32, #tpu.memory_space<vmem>>, vector<16xf32>,
        %sub3A_155 = arith.subf %gather3A_147, %gather3A_148 : vector<16xf32>
        %add3A_156 = arith.addf %get3A_154, %sub3A_155 : vector<16xf32>
        %swap3A_157 = arith.index_cast %add3A_152 : i32 to index
        %swap3A_158 = tpu.vector_load %arg10[%swap3A_157] {strides = array<i32>} : memref<6000xf32, #tpu.memory_space<vmem>>, vector<16xf32>,
        tpu.vector_store %arg10[%swap3A_157], %add3A_156 {strides = array<i32>} : memref<6000xf32, #tpu.memory_space<vmem>>, vector<16xf32>,
        %scan3A_159 = arith.constant 1 : i32
        %scan3A_160 = arith.addi %scan3A_114, %scan3A_159 : i32
        %mul3A_161 = arith.constant 16 : i32
        %mul3A_162 = arith.muli %scan3A_160, %mul3A_161 : i32
        %add3A_163 = vector.broadcast %mul3A_162 : i32 to vector<16xi32>
        %add3A_164 = arith.addi %shift_right_arithmetic3A_10, %add3A_163 : vector<16xi32>
        %gather3A_165 = tpu.vector_load_idx %arg12[%add3A_164, %sub3A] : memref<2000x8xf32, #tpu.memory_space<vmem>>[vector<16xi32>, vector<16xi32>], vector<16xf32>,
        %gather3A_166 = tpu.vector_load_idx %arg11[%add3A_164, %sub3A] : memref<2000x8xf32, #tpu.memory_space<vmem>>[vector<16xi32>, vector<16xi32>], vector<16xf32>,
        %mul3A_167 = arith.constant 48 : i32
        %mul3A_168 = arith.muli %scan3A_160, %mul3A_167 : i32
        %add3A_169 = arith.constant 0 : i32
        %add3A_170 = arith.addi %mul3A_168, %add3A_169 : i32
        %get3A_171 = arith.index_cast %add3A_170 : i32 to index
        %get3A_172 = tpu.vector_load %arg10[%get3A_171] {strides = array<i32>} : memref<6000xf32, #tpu.memory_space<vmem>>, vector<16xf32>,
        %sub3A_173 = arith.subf %gather3A_165, %gather3A_166 : vector<16xf32>
        %add3A_174 = arith.addf %get3A_172, %sub3A_173 : vector<16xf32>
        %swap3A_175 = arith.index_cast %add3A_170 : i32 to index
        %swap3A_176 = tpu.vector_load %arg10[%swap3A_175] {strides = array<i32>} : memref<6000xf32, #tpu.memory_space<vmem>>, vector<16xf32>,
        tpu.vector_store %arg10[%swap3A_175], %add3A_174 {strides = array<i32>} : memref<6000xf32, #tpu.memory_space<vmem>>, vector<16xf32>,
        %add3A_177 = vector.broadcast %mul3A_162 : i32 to vector<16xi32>
        %add3A_178 = arith.addi %shift_right_arithmetic3A_22, %add3A_177 : vector<16xi32>
        %gather3A_179 = tpu.vector_load_idx %arg12[%add3A_178, %sub3A_26] : memref<2000x8xf32, #tpu.memory_space<vmem>>[vector<16xi32>, vector<16xi32>], vector<16xf32>,
        %gather3A_180 = tpu.vector_load_idx %arg11[%add3A_178, %sub3A_26] : memref<2000x8xf32, #tpu.memory_space<vmem>>[vector<16xi32>, vector<16xi32>], vector<16xf32>,
        %mul3A_181 = arith.constant 48 : i32
        %mul3A_182 = arith.muli %scan3A_160, %mul3A_181 : i32
        %add3A_183 = arith.constant 16 : i32
        %add3A_184 = arith.addi %mul3A_182, %add3A_183 : i32
        %get3A_185 = arith.index_cast %add3A_184 : i32 to index
        %get3A_186 = tpu.vector_load %arg10[%get3A_185] {strides = array<i32>} : memref<6000xf32, #tpu.memory_space<vmem>>, vector<16xf32>,
        %sub3A_187 = arith.subf %gather3A_179, %gather3A_180 : vector<16xf32>
        %add3A_188 = arith.addf %get3A_186, %sub3A_187 : vector<16xf32>
        %swap3A_189 = arith.index_cast %add3A_184 : i32 to index
        %swap3A_190 = tpu.vector_load %arg10[%swap3A_189] {strides = array<i32>} : memref<6000xf32, #tpu.memory_space<vmem>>, vector<16xf32>,
        tpu.vector_store %arg10[%swap3A_189], %add3A_188 {strides = array<i32>} : memref<6000xf32, #tpu.memory_space<vmem>>, vector<16xf32>,
        %add3A_191 = vector.broadcast %mul3A_162 : i32 to vector<16xi32>
        %add3A_192 = arith.addi %shift_right_arithmetic3A_35, %add3A_191 : vector<16xi32>
        %gather3A_193 = tpu.vector_load_idx %arg12[%add3A_192, %sub3A_39] : memref<2000x8xf32, #tpu.memory_space<vmem>>[vector<16xi32>, vector<16xi32>], vector<16xf32>,
        %gather3A_194 = tpu.vector_load_idx %arg11[%add3A_192, %sub3A_39] : memref<2000x8xf32, #tpu.memory_space<vmem>>[vector<16xi32>, vector<16xi32>], vector<16xf32>,
        %mul3A_195 = arith.constant 48 : i32
        %mul3A_196 = arith.muli %scan3A_160, %mul3A_195 : i32
        %add3A_197 = arith.constant 32 : i32
        %add3A_198 = arith.addi %mul3A_196, %add3A_197 : i32
        %get3A_199 = arith.index_cast %add3A_198 : i32 to index
        %get3A_200 = tpu.vector_load %arg10[%get3A_199] {strides = array<i32>} : memref<6000xf32, #tpu.memory_space<vmem>>, vector<16xf32>,
        %sub3A_201 = arith.subf %gather3A_193, %gather3A_194 : vector<16xf32>
        %add3A_202 = arith.addf %get3A_200, %sub3A_201 : vector<16xf32>
        %swap3A_203 = arith.index_cast %add3A_198 : i32 to index
        %swap3A_204 = tpu.vector_load %arg10[%swap3A_203] {strides = array<i32>} : memref<6000xf32, #tpu.memory_space<vmem>>, vector<16xf32>,
        tpu.vector_store %arg10[%swap3A_203], %add3A_202 {strides = array<i32>} : memref<6000xf32, #tpu.memory_space<vmem>>, vector<16xf32>,
      }
      %scan3A_68 = arith.constant 124 : i32
      %scan3A_69 = arith.addi %scan3A_64, %scan3A_68 : i32
      %mul3A_70 = arith.constant 16 : i32
      %mul3A_71 = arith.muli %scan3A_69, %mul3A_70 : i32
      %add3A_72 = vector.broadcast %mul3A_71 : i32 to vector<16xi32>
      %add3A_73 = arith.addi %shift_right_arithmetic3A_10, %add3A_72 : vector<16xi32>
      %gather3A = tpu.vector_load_idx %arg12[%add3A_73, %sub3A] : memref<2000x8xf32, #tpu.memory_space<vmem>>[vector<16xi32>, vector<16xi32>], vector<16xf32>,
      %gather3A_74 = tpu.vector_load_idx %arg11[%add3A_73, %sub3A] : memref<2000x8xf32, #tpu.memory_space<vmem>>[vector<16xi32>, vector<16xi32>], vector<16xf32>,
      %mul3A_75 = arith.constant 48 : i32
      %mul3A_76 = arith.muli %scan3A_69, %mul3A_75 : i32
      %add3A_77 = arith.constant 0 : i32
      %add3A_78 = arith.addi %mul3A_76, %add3A_77 : i32
      %get3A = arith.index_cast %add3A_78 : i32 to index
      %get3A_79 = tpu.vector_load %arg10[%get3A] {strides = array<i32>} : memref<6000xf32, #tpu.memory_space<vmem>>, vector<16xf32>,
      %sub3A_80 = arith.subf %gather3A, %gather3A_74 : vector<16xf32>
      %add3A_81 = arith.addf %get3A_79, %sub3A_80 : vector<16xf32>
      %swap3A = arith.index_cast %add3A_78 : i32 to index
      %swap3A_82 = tpu.vector_load %arg10[%swap3A] {strides = array<i32>} : memref<6000xf32, #tpu.memory_space<vmem>>, vector<16xf32>,
      tpu.vector_store %arg10[%swap3A], %add3A_81 {strides = array<i32>} : memref<6000xf32, #tpu.memory_space<vmem>>, vector<16xf32>,
      %add3A_83 = vector.broadcast %mul3A_71 : i32 to vector<16xi32>
      %add3A_84 = arith.addi %shift_right_arithmetic3A_22, %add3A_83 : vector<16xi32>
      %gather3A_85 = tpu.vector_load_idx %arg12[%add3A_84, %sub3A_26] : memref<2000x8xf32, #tpu.memory_space<vmem>>[vector<16xi32>, vector<16xi32>], vector<16xf32>,
      %gather3A_86 = tpu.vector_load_idx %arg11[%add3A_84, %sub3A_26] : memref<2000x8xf32, #tpu.memory_space<vmem>>[vector<16xi32>, vector<16xi32>], vector<16xf32>,
      %mul3A_87 = arith.constant 48 : i32
      %mul3A_88 = arith.muli %scan3A_69, %mul3A_87 : i32
      %add3A_89 = arith.constant 16 : i32
      %add3A_90 = arith.addi %mul3A_88, %add3A_89 : i32
      %get3A_91 = arith.index_cast %add3A_90 : i32 to index
      %get3A_92 = tpu.vector_load %arg10[%get3A_91] {strides = array<i32>} : memref<6000xf32, #tpu.memory_space<vmem>>, vector<16xf32>,
      %sub3A_93 = arith.subf %gather3A_85, %gather3A_86 : vector<16xf32>
      %add3A_94 = arith.addf %get3A_92, %sub3A_93 : vector<16xf32>
      %swap3A_95 = arith.index_cast %add3A_90 : i32 to index
      %swap3A_96 = tpu.vector_load %arg10[%swap3A_95] {strides = array<i32>} : memref<6000xf32, #tpu.memory_space<vmem>>, vector<16xf32>,
      tpu.vector_store %arg10[%swap3A_95], %add3A_94 {strides = array<i32>} : memref<6000xf32, #tpu.memory_space<vmem>>, vector<16xf32>,
      %add3A_97 = vector.broadcast %mul3A_71 : i32 to vector<16xi32>
      %add3A_98 = arith.addi %shift_right_arithmetic3A_35, %add3A_97 : vector<16xi32>
      %gather3A_99 = tpu.vector_load_idx %arg12[%add3A_98, %sub3A_39] : memref<2000x8xf32, #tpu.memory_space<vmem>>[vector<16xi32>, vector<16xi32>], vector<16xf32>,
      %gather3A_100 = tpu.vector_load_idx %arg11[%add3A_98, %sub3A_39] : memref<2000x8xf32, #tpu.memory_space<vmem>>[vector<16xi32>, vector<16xi32>], vector<16xf32>,
      %mul3A_101 = arith.constant 48 : i32
      %mul3A_102 = arith.muli %scan3A_69, %mul3A_101 : i32
      %add3A_103 = arith.constant 32 : i32
      %add3A_104 = arith.addi %mul3A_102, %add3A_103 : i32
      %get3A_105 = arith.index_cast %add3A_104 : i32 to index
      %get3A_106 = tpu.vector_load %arg10[%get3A_105] {strides = array<i32>} : memref<6000xf32, #tpu.memory_space<vmem>>, vector<16xf32>,
      %sub3A_107 = arith.subf %gather3A_99, %gather3A_100 : vector<16xf32>
      %add3A_108 = arith.addf %get3A_106, %sub3A_107 : vector<16xf32>
      %swap3A_109 = arith.index_cast %add3A_104 : i32 to index
      %swap3A_110 = tpu.vector_load %arg10[%swap3A_109] {strides = array<i32>} : memref<6000xf32, #tpu.memory_space<vmem>>, vector<16xf32>,
      tpu.vector_store %arg10[%swap3A_109], %add3A_108 {strides = array<i32>} : memref<6000xf32, #tpu.memory_space<vmem>>, vector<16xf32>,
      %scan3A_111 = arith.constant 125 : i32
      %mul3A_112 = arith.constant 3 : i32
      %mul3A_113 = arith.muli %add3A_50, %mul3A_112 : i32
      "tpu.region"() ({
        %run_scoped3A = tpu.sem_alloc : memref<!tpu.dma_semaphore, #tpu.memory_space<semaphore_mem>>
        %dma_start3A_114 = tpu.memref_slice %arg6[%mul3A_113] : memref<19200000xf32, #tpu.memory_space<hbm>> -> memref<6000xf32, #tpu.memory_space<hbm>>
        %dma_start3A_115 = tpu.memref_slice %arg6[%mul3A_113] : memref<19200000xf32, #tpu.memory_space<hbm>> -> memref<6000xf32, #tpu.memory_space<hbm>>
        tpu.enqueue_dma source(%arg10 : memref<6000xf32, #tpu.memory_space<vmem>>) target(%dma_start3A_115 : memref<6000xf32, #tpu.memory_space<hbm>>) target_semaphore(%run_scoped3A : memref<!tpu.dma_semaphore, #tpu.memory_space<semaphore_mem>>)
        %dma_wait3A_116 = tpu.memref_slice %arg6[%mul3A_113] : memref<19200000xf32, #tpu.memory_space<hbm>> -> memref<6000xf32, #tpu.memory_space<hbm>>
        %dma_wait3A_117 = tpu.memref_slice %arg6[%mul3A_113] : memref<19200000xf32, #tpu.memory_space<hbm>> -> memref<6000xf32, #tpu.memory_space<hbm>>
        tpu.wait_dma2 semaphore(%run_scoped3A : memref<!tpu.dma_semaphore, #tpu.memory_space<semaphore_mem>>) src(%arg10 : memref<6000xf32, #tpu.memory_space<vmem>>) dst(%dma_wait3A_117 : memref<6000xf32, #tpu.memory_space<hbm>>)
        tpu.yield
      }) : () -> ()
    }
    %scan3A_44 = arith.constant 100 : i32
    return
  }
}

</mosaic_0001>

<sc_bundles>
// kernel: kernel.3.cloned.1.call-start
scs
__scs_entry_jumppad:
0x0: {  	(pc) =	sbr.rel $0x88, $3  }
0x1: {  	(tag) =	ssettag $0x0;
	lr =	simm.s32 $0x1  }
0x2: {  	[smem:$0x3F9D] =	sst lr;
	_ =	strace $0xD0000000  }
0x3: {  	_ = 	snop  }
0x4: {  	_ = 	snop  }
0x5: {  	_ = 	snop  }
0x6: {  	_ = 	snop  }
0x7: {  	_ = 	snop  }
__scs_overlays_trampoline_lowered:
0x8: {  	[smem:$0x3FAC] =	sst s0  }
0x9: {  	[smem:$0x3FAD] =	sst s1  }
0xa: {  	[smem:$0x3FAE] =	sst s2  }
0xb: {  	[smem:$0x3FAF] =	sst s3  }
0xc: {  	[smem:$0x3FB0] =	sst s4  }
0xd: {  	[smem:$0x3FB1] =	sst s5  }
0xe: {  	[smem:$0x3FB2] =	sst s6  }
0xf: {  	[smem:$0x3FB3] =	sst s7  }
0x10: {  	[smem:$0x3FB4] =	sst s8  }
0x11: {  	[smem:$0x3FB5] =	sst s9;
	s0 =	simm.s32 @!p0 $0x0  }
0x12: {  	s1 =	sld [smem:$0x3F9B];
	s0 =	simm.s32 @p0 $0x1  }
0x13: {  	[smem:$0x3FB6] =	sst s0;
	s0 =	simm.s32 @!p1 $0x0  }
0x14: {  	s2 =	sld [smem:$0x3F9A];
	s0 =	simm.s32 @p1 $0x1  }
0x15: {  	[smem:$0x3FB7] =	sst s0;
	s0 =	simm.s32 @!p2 $0x0  }
0x16: {  	s3 =	sld [smem:$0x3FDB];
	s0 =	simm.s32 @p2 $0x1  }
0x17: {  	s4 =	simm.s32 $0x1BF5;
	[smem:$0x3FB9] =	sst s0  }
0x18: {  	s0 =	sld [smem:$0x3F9C];
	_ =	swait.ge [sflag:s4], $0x0  }
0x19: {  	s7 =	sld [smem:$0x3F9D]  }
0x1a: {  	s8 =	sadd.s32 $0xFFFFE003, lr  }
0x1b: {  	s9 =	sadd.s32 $0xFFFFFEF7, lr;
	s5 =	simm.s32 $0xFFFFFFFF;
	p2 =	slt.u32 s8, $0xFFFFF086  }
0x1c: {  	p1 =	slt.u32 s9, $0xF7A;
	s5 =	simm.s32 @!p2 $0x0  }
0x1d: {  	s5 =	simm.s32 @p1 $0x1;
	p0 =	seq.s32 s7, s2  }
0x1e: {  	s7 =	smul.u32 @!p0 $0xF7A, s2;
	p2 =	seq.s32 @!p0 s5, $0x0  }
0x1f: {  	s9 =	smul.u32 $0xF7A, s1;
	s8 =	simm.s32 @!p0 $0x1BF5;
	p2 =	por !p2, p0  }
0x20: {  	[sflag:s8] =	ssyncset.s32 @!p0 $0xFFFFF086;
	s6 =	sadd.s32 @!p0 s3, s7;
	s7 =	simm.s32 @!p0 $0x108  }
0x21: {  	s3 =	sadd.s32 s3, s9;
	s6 =	sadd.s32 @!p0 $0x88, s6;
	s7 =	simm.s32 @p2 $0x1082  }
0x22: {  	[simem:s7], [sflag:s8] =	dma.local @!p0 [hbm:s6], $0xF7A  }
0x23: {  	s9 =	sor.u32 $0xD0000000, s2;
	s6 =	simm.s32 $0x108;
	_ =	swait.ge @!p0 [sflag:s8], $0x0  }
0x24: {  	s3 =	sadd.s32 $0x88, s3;
	s6 =	simm.s32 @!p1 $0x1082;
	[sflag:s4] =	ssyncset.s32 $0xFFFFF086  }
0x25: {  	[simem:s6], [sflag:s4] =	dma.local [hbm:s3], $0xF7A  }
0x26: {  	[smem:$0x3F9D] =	sst s1;
	(tag) =	ssettag s2;
	_ =	strace s9  }
0x27: {  	s1 =	sld [smem:$0x3FAD]  }
0x28: {  	s2 =	sld [smem:$0x3FAE]  }
0x29: {  	s4 =	sld [smem:$0x3FB0]  }
0x2a: {  	p0 =	seq.s32 s5, $0x0;
	s5 =	sld [smem:$0x3FB1]  }
0x2b: {  	s6 =	sld [smem:$0x3FB2]  }
0x2c: {  	s7 =	sld [smem:$0x3FB3]  }
0x2d: {  	s3 =	simm.s32 $0x108;
	s8 =	sld [smem:$0x3FB4]  }
0x2e: {  	s3 =	simm.s32 @!p0 $0x1082;
	s9 =	sld [smem:$0x3FB5]  }
0x2f: {  	lr =	sadd.s32 s0, s3;
	s0 =	sld [smem:$0x3FAC]  }
0x30: {  	s3 =	sld [smem:$0x3FAF]  }
0x31: {  	[smem:$0x3FB8] =	sst s10  }
0x32: {  	s10 =	sld [smem:$0x3FB6];
	_ =	sdelay $0x3  }
0x33: {  	p0 =	seq.s32 s10, $0x1;
	s10 =	sld [smem:$0x3FB8];
	_ =	sdelay $0x3  }
0x34: {  	[smem:$0x3FB8] =	sst s10  }
0x35: {  	s10 =	sld [smem:$0x3FB7];
	_ =	sdelay $0x3  }
0x36: {  	p1 =	seq.s32 s10, $0x1;
	s10 =	sld [smem:$0x3FB8];
	_ =	sdelay $0x3  }
0x37: {  	[smem:$0x3FB8] =	sst s10  }
0x38: {  	s10 =	sld [smem:$0x3FB9]  }
0x39: {  	_ = 	snop;
	(pc) =	sbr.ind lr, $3  }
0x3a: {  	_ = 	snop  }
0x3b: {  	_ = 	snop  }
0x3c: {  	p2 =	seq.s32 s10, $0x1;
	s10 =	sld [smem:$0x3FB8]  }
0x3d: {  	_ =	shalt  }
0x3e: {  	_ =	shalt  }
0x3f: {  	_ =	shalt  }
0x40: {  	_ =	shalt  }
0x41: {  	_ =	shalt  }
0x42: {  	_ =	shalt  }
0x43: {  	_ =	shalt  }
0x44: {  	_ =	shalt  }
0x45: {  	_ =	shalt  }
0x46: {  	_ =	shalt  }
0x47: {  	_ =	shalt  }
0x48: {  	_ =	shalt  }
0x49: {  	_ =	shalt  }
0x4a: {  	_ =	shalt  }
0x4b: {  	_ =	shalt  }
0x4c: {  	_ =	shalt  }
0x4d: {  	_ =	shalt  }
0x4e: {  	_ =	shalt  }
0x4f: {  	_ =	shalt  }
0x50: {  	_ =	shalt  }
0x51: {  	_ =	shalt  }
0x52: {  	_ =	shalt  }
0x53: {  	_ =	shalt  }
0x54: {  	_ =	shalt  }
0x55: {  	_ =	shalt  }
0x56: {  	_ =	shalt  }
0x57: {  	_ =	shalt  }
0x58: {  	_ =	shalt  }
0x59: {  	_ =	shalt  }
0x5a: {  	_ =	shalt  }
0x5b: {  	_ =	shalt  }
0x5c: {  	_ =	shalt  }
0x5d: {  	_ =	shalt  }
0x5e: {  	_ =	shalt  }
0x5f: {  	_ =	shalt  }
0x60: {  	_ =	shalt  }
0x61: {  	_ =	shalt  }
0x62: {  	_ =	shalt  }
0x63: {  	_ =	shalt  }
0x64: {  	_ =	shalt  }
0x65: {  	_ =	shalt  }
0x66: {  	_ =	shalt  }
0x67: {  	_ =	shalt  }
0x68: {  	_ =	shalt  }
0x69: {  	_ =	shalt  }
0x6a: {  	_ =	shalt  }
0x6b: {  	_ =	shalt  }
0x6c: {  	_ =	shalt  }
0x6d: {  	_ =	shalt  }
0x6e: {  	_ =	shalt  }
0x6f: {  	_ =	shalt  }
0x70: {  	_ =	shalt  }
0x71: {  	_ =	shalt  }
0x72: {  	_ =	shalt  }
0x73: {  	_ =	shalt  }
0x74: {  	_ =	shalt  }
0x75: {  	_ =	shalt  }
0x76: {  	_ =	shalt  }
0x77: {  	_ =	shalt  }
0x78: {  	_ =	shalt  }
0x79: {  	_ =	shalt  }
0x7a: {  	_ =	shalt  }
0x7b: {  	_ =	shalt  }
0x7c: {  	_ =	shalt  }
0x7d: {  	_ =	shalt  }
0x7e: {  	_ =	shalt  }
0x7f: {  	_ =	shalt  }
0x80: {  	_ =	shalt  }
0x81: {  	_ =	shalt  }
0x82: {  	_ =	shalt  }
0x83: {  	_ =	shalt  }
0x84: {  	_ =	shalt  }
0x85: {  	_ =	shalt  }
0x86: {  	_ =	shalt  }
0x87: {  	_ =	shalt  }
.Lfunc_end0:
.L_simem_size_0:
called_computation.1_lowered:
.L_overlay_start_0:
0x88: {  	s2 =	sld [smem:$0x3FD9]  }
0x89: {  	s3 =	sld [smem:$0x3FFE];
	_ =	sdelay $0x1  }
0x8a: {  	s1 =	srdreg.scid  }
0x8b: {  	s0 =	sand.u32 $0x1, s1  }
0x8c: {  	s17 =	sshll.u32 s0, $0xA;
	s2 =	sadd.s32 s3, s2  }
0x8d: {  	s2 =	sadd.s32 s2, s17  }
0x8e: {  	[smem:$0x3FC4] =	sst s2  }
0x8f: {  	_ = 	snop  }
0x90: {  	s2 =	sld [smem:$0x3FC7]  }
0x91: {  	s18 =	sld [smem:$0x3FC6]  }
0x92: {  	s4 =	sld [smem:$0x3FD0];
	(tm) =	ssettm $0x1  }
0x93: {  	s5 =	sld [smem:$0x3FFB];
	_ =	sdelay $0x3  }
0x94: {  	_ =	strace s5  }
0x95: {  	s5 =	sld [smem:$0x3FFC];
	_ =	sdelay $0x3  }
0x96: {  	_ =	strace s5  }
0x97: {  	s5 =	sld [smem:$0x3FFD];
	_ =	sdelay $0x3  }
0x98: {  	_ =	strace s5  }
0x99: {  	_ =	strace $0x8FFFFFFF  }
0x9a: {  	s19 =	sld [smem:$0x3FDB];
	_ =	sdelay $0x1  }
0x9b: {  	s6 =	simm.s32 $_scs_section_size  }
0x9c: {  	s7 =	simm.s32 $_size__tile_overlayer_lowered;
	s8 =	simm.s32 $_tile_overlayer_lowered  }
0x9d: {  	s22 =	simm.s32 $0x1BFF;
	s21 =	sshll.u32 s8, $0x1;
	s5 =	sadd.s32 s6, s19  }
0x9e: {  	s9 =	simm.s32 $0x0;
	s20 =	sshll.u32 s7, $0x1;
	s7 =	sadd.s32 s21, s5  }
0x9f: {  	[timem:s9], [sflag:s22] =	dma.local [hbm:s7], s20  }
0xa0: {  	_ =	swait.ge [sflag:s22], s20  }
0xa1: {  	s6 =	ssub.s32 $0x0, s20;
	[sflag:s22] =	ssyncset.done $0x0  }
0xa2: {  	[sflag:s22] =	ssyncadd.s32 s6;
	_ =	sdelay $0x1  }
0xa3: {  	s23 =	simm.s32 $0x1B8B  }
0xa4: {  	_ =	swait.ge [sflag:s23], $0x1  }
0xa5: {  	[sflag:s23] =	ssyncset.done $0x0  }
0xa6: {  	s25 =	simm.s32 $0x1B8E;
	s24 =	sld [smem:$0x3FFE];
	[sflag:s23] =	ssyncadd.s32 $0xFFFFFFFF  }
0xa7: {  	s26 =	simm.s32 $execute0_lowered;
	[smem:$0x3FD2] =	sst s25  }
0xa8: {  	s7 =	sshll.u32 s26, $0x1;
	_ =	strace $0x80000046;
	[dreg:$0x1] =	wrdreg $0xFFFFFFFF  }
0xa9: {  	s28 =	simm.s32 $_size_execute0_lowered;
	s5 =	sadd.s32 s5, s7;
	[dreg:$0x0] =	wrdreg $0x0  }
0xaa: {  	s7 =	sshll.u32 s28, $0x1;
	[dreg:$0x2] =	wrdreg s5  }
0xab: {  	[dreg:$0x3] =	wrdreg s7  }
0xac: {  	[dreg:$0x4] =	wrdreg $0xC0  }
0xad: {  	_ =	task [dreg:s9], $0x5FFFF  }
0xae: {  	[dreg:$0x1] =	wrdreg $0xFFFFFFFF  }
0xaf: {  	[dreg:$0x0] =	wrdreg $0x60  }
0xb0: {  	[dreg:$0x2] =	wrdreg s24  }
0xb1: {  	[dreg:$0x3] =	wrdreg s4  }
0xb2: {  	[dreg:$0x4] =	wrdreg s2  }
0xb3: {  	[dreg:$0x5] =	wrdreg s18  }
0xb4: {  	[dreg:$0x6] =	wrdreg $0x0  }
0xb5: {  	[dreg:$0x7] =	wrdreg $0x9  }
0xb6: {  	_ =	task.clear_ibuf [dreg:s9], $0x8FFFF;
	_ =	strace $0x90000046  }
0xb7: {  	s29 =	simm.s32 $0x9;
	_ =	strace $0x80000048  }
0xb8: {  	_ =	swait.ge [sflag:s29], $0x1  }
0xb9: {  	[sflag:s29] =	ssyncadd.s32 $0xFFFFFFFF  }
0xba: {  	_ =	strace $0x90000048  }
0xbb: {  	_ =	sfence  }
0xbc: {  	s30 =	sld [smem:$0x0];
	_ =	sdelay $0x2  }
0xbd: {  	s31 =	sshll.u32 s1, $0xD;
	s1 =	sshrl.u32 s1, $0x2  }
0xbe: {  	s3 =	sand.u32 $0x4000, s31;
	s1 =	sadd.s32 s1, s30  }
0xbf: {  	s0 =	sor.u32 s3, s0;
	s1 =	sshll.u32 s1, $0x11  }
0xc0: {  	s0 =	sor.u32 s1, s0  }
0xc1: {  	s0 =	sadd.s32 $0x8F2B, s0  }
0xc2: {  	[sflag:s0] =	ssyncadd.remote.s32 $0x1  }
0xc3: {  	_ =	sfence.sel $0xFFFF  }
0xc4: {  	[dreg:$0x0] =	wrdreg $0xFFFFFFFF;
	(pc) =	sbr.abs _section_cstart, $3  }
0xc5: {  	[dreg:$0x1] =	wrdreg $0xFFFFFFFF  }
0xc6: {  	_ =	task.clear_ibuf [dreg:s9], $0x2FFFF;
	_ =	strace $0x9FFFFFFF  }
0xc7: {  	(tm) =	ssettm $0x7FFFFFFF  }
tec
execute0_lowered:
.L_overlay_start_1:
0x0: {  	(tag) =	ssettag $0x1  }
0x1: {  	v0 =	vimm.s32 $0x58585850;
	vm1 =	vcmask $0xF00  }
0x2: {  	v1 =	vimm.s32 $0x68606060;
	vm2 =	vcmask $0x1F10;
	v2 =	vimm.s32 $0x70706868  }
0x3: {  	v3 =	vimm.s32 $0x30302828;
	v4 =	vimm.s32 $0x38383830;
	vm3 =	vcmask $0x2F20  }
0x4: {  	vm0 =	vcmask $0x3330;
	v5 =	vimm.s32 $0x10100808;
	v6 =	vimm.s32 $0x18181810  }
0x5: {  	vm12 =	vcmask $0x3730;
	vm13 =	vcmask $0x3B30;
	vm14 =	vcmask $0x300  }
0x6: {  	vm4 =	vcmask $0x704;
	vm5 =	vcmask $0xB08;
	vm6 =	vcmask $0xF0C  }
0x7: {  	vm7 =	vcmask $0x1310;
	vm8 =	vcmask $0x1714;
	vm15 =	vcmask $0x1B18  }
0x8: {  	v7 =	vimm.s32 $0x3E51;
	v8 =	vimm.s32 $0x3E7A;
	vm9 =	vcmask $0x1F1C  }
0x9: {  	vm10 =	vcmask $0x2320;
	vm11 =	vcmask $0x2724;
	v0 =	vunpack.c.0.s8.s32 v0  }
0xa: {  	v1 =	vunpack.c.0.s8.s32 v1;
	v2 =	vunpack.c.0.s8.s32 v2;
	v3 =	vunpack.c.0.s8.s32 v3  }
0xb: {  	v5 =	vunpack.c.0.s8.s32 v5;
	v7 =	vsel vm14, $0x3E29, v7;
	v8 =	vsel vm14, $0x3E52, v8  }
0xc: {  	v6 =	vunpack.c.0.s8.s32 v6;
	v7 =	vsel vm4, $0x3E2A, v7;
	v8 =	vsel vm4, $0x3E58, v8  }
0xd: {  	v0 =	vnsel vm1, $0x78, v0;
	v7 =	vsel vm5, $0x3E30, v7;
	v8 =	vsel vm5, $0x3E59, v8  }
0xe: {  	v0 =	vsel vm2, v1, v0;
	v1 =	vunpack.c.0.s8.s32 v4;
	v4 =	vimm.s32 $0x24924924  }
0xf: {  	v7 =	vsel vm6, $0x3E31, v7;
	v8 =	vsel vm6, $0x3E5A, v8;
	v0 =	vsel vm3, v2, v0  }
0x10: {  	v2 =	vnsel vm1, $0x50, v3;
	v3 =	vimm.s32 $0x8000000;
	v4 =	vunpack.c.l.s2.s4 v4  }
0x11: {  	v7 =	vsel vm7, $0x3E32, v7;
	v8 =	vsel vm7, $0x3E60, v8;
	v0 =	vsel vm0, $0x70, v0  }
0x12: {  	v1 =	vsel vm2, v1, v2;
	v2 =	vimm.s32 $0x48404040;
	v3 =	vunpack.c.0.s8.s32 v3  }
0x13: {  	v7 =	vsel vm8, $0x3E38, v7;
	v8 =	vsel vm8, $0x3E61, v8;
	v2 =	vunpack.c.0.s8.s32 v2  }
0x14: {  	v4 =	vunpack.c.l.s4.s8 v4;
	v7 =	vsel vm15, $0x3E39, v7;
	v8 =	vsel vm15, $0x3E62, v8  }
0x15: {  	v3 =	vnsel vm1, $0x28, v3;
	v7 =	vsel vm9, $0x3E3A, v7;
	v8 =	vsel vm9, $0x3E68, v8  }
0x16: {  	v1 =	vsel vm3, v2, v1;
	v2 =	vsel vm2, v5, v3;
	v3 =	vunpack.c.0.s8.s32 v4  }
0x17: {  	v4 =	vimm.s32 $0x49249249;
	v2 =	vsel vm3, v6, v2;
	v6 =	vimm.s32 $0x3E28  }
0x18: {  	v5 =	vimm.s32 $0x92492492;
	v7 =	vsel vm10, $0x3E40, v7;
	v6 =	vsel vm14, $0x3E00, v6  }
0x19: {  	s7 =	rddreg [dreg:$0x0];
	v8 =	vsel vm10, $0x3E69, v8;
	v1 =	vsel vm12, $0x48, v1;
	v6 =	vsel vm4, $0x3E01, v6  }
0x1a: {  	s0 =	rddreg [dreg:$0x1];
	v4 =	vunpack.c.l.s2.s4 v4;
	v5 =	vunpack.c.l.s2.s4 v5;
	v6 =	vsel vm5, $0x3E02, v6  }
0x1b: {  	s1 =	rddreg [dreg:$0x2];
	vm12 =	vcmask $0x2B28;
	v7 =	vsel vm11, $0x3E41, v7;
	v6 =	vsel vm6, $0x3E08, v6  }
0x1c: {  	s2 =	rddreg [dreg:$0x3];
	v8 =	vsel vm11, $0x3E6A, v8;
	v2 =	vsel vm13, $0x20, v2;
	v6 =	vsel vm7, $0x3E09, v6  }
0x1d: {  	s4 =	rddreg [dreg:$0x4];
	v3 =	vand.u32 $0x3, v3;
	vm13 =	vcmask $0x2F2C;
	v6 =	vsel vm8, $0x3E0A, v6  }
0x1e: {  	s3 =	rddreg [dreg:$0x5];
	s5 =	simm.s32 $0x0;
	s6 =	srdreg.scid;
	v7 =	vsel vm12, $0x3E42, v7;
	v8 =	vsel vm12, $0x3E70, v8;
	v6 =	vsel vm15, $0x3E10, v6  }
0x1f: {  	s9 =	stileid.u32;
	s13 =	simm.s32 $0xCB20;
	s14 =	simm.s32 $0xD2F0;
	vm14 =	vcmask $0x3734;
	v4 =	vunpack.c.l.s4.s8 v4;
	v6 =	vsel vm9, $0x3E11, v6  }
0x20: {  	s15 =	simm.s32 $0x7D0;
	s16 =	simm.s32 $0xEA60;
	s17 =	simm.s32 $0x1;
	v5 =	vunpack.c.l.s4.s8 v5;
	v7 =	vsel vm13, $0x3E48, v7;
	v6 =	vsel vm10, $0x3E12, v6  }
0x21: {  	s18 =	simm.s32 $0x128E0;
	s19 =	simm.s32 $0x0;
	[smem:$0x7FF] =	sst s5;
	v8 =	vsel vm13, $0x3E71, v8;
	v7 =	vsel vm0, $0x3E49, v7;
	v6 =	vsel vm11, $0x3E18, v6  }
0x22: {  	s8 =	sand.u32 $0x1, s6;
	s6 =	sadd.s32 $0x187200, s7;
	s7 =	sadd.s32 $0x19FA00, s7;
	v8 =	vsel vm0, $0x3E72, v8;
	v4 =	vunpack.c.0.s8.s32 v4;
	v6 =	vsel vm12, $0x3E19, v6  }
0x23: {  	s12 =	sshll.u32 s9, $0x1;
	p0 =	sne.s32 s9, $0x0;
	s10 =	ssub.s32 $0x2, s8;
	v5 =	vunpack.c.0.s8.s32 v5;
	v7 =	vsel vm14, $0x3E4A, v7;
	v6 =	vsel vm13, $0x3E1A, v6  }
0x24: {  	_ =	strace $0x80000047;
	s8 =	sor.u32 s8, s12;
	s11 =	sshrl.u32 s10, $0x1;
	v8 =	vsel vm14, $0x3E78, v8;
	v4 =	vand.u32 $0x3, v4;
	v6 =	vsel vm0, $0x3E20, v6  }
0x25: {  	s12 =	simm.s32 $0x2;
	s8 =	smul.u32 $0x30D40, s8;
	s10 =	ssub.s32 s10, s11;
	v5 =	vand.u32 $0x3, v5;
	vm15 =	vcmask $0x3B38;
	v6 =	vsel vm14, $0x3E21, v6  }
0x26: {  	s11 =	simm.s32 $0xC350;
	s9 =	smax.u32 s10, $0x1;
	s10 =	sshrl.u32 @!p0 s4, $0x3;
	v7 =	vsel vm15, $0x3E50, v7;
	v8 =	vsel vm15, $0x3E79, v8;
	v6 =	vsel vm15, $0x3E22, v6  }
.LBB2_1:
0x27: {  	s20 =	simm.s32 @!p0 $0x1C02  }
0x28: {  	[spmem:s10], [sflag:s20] =	dma.local @!p0 [hbm:s6], $0x186A0  }
0x29: {  	s20 =	simm.s32 @!p0 $0x2  }
0x2a: {  	_ =	swait.ge @!p0 [sflag:s20], $0x186A0  }
0x2b: {  	[sflag:s20] =	ssyncset.done @!p0 $0x0  }
0x2c: {  	[sflag:s20] =	ssyncadd.s32 @!p0 $0xFFFE7960  }
0x2d: {  	s20 =	simm.s32 $0x0;
	[bflag:$0x0] =	sbarrier.arrive $0xFFFF  }
.LBB2_2:
0x2e: {  	s21 =	smul.u32 $0x7D0, s20;
	_ =	sdelay $0x1  }
0x2f: {  	s21 =	sadd.s32 s8, s21  }
0x30: {  	s22 =	sshrl.u32 s21, $0x3  }
0x31: {  	s24 =	simm.s32 $0x0;
	s23 =	sadd.s32 s1, s22  }
0x32: {  	[tilespmem:s11], [sflag:$0x2] =	stream.linear.gather [hbm4b:s23+s24], $0x7D0, $0x38;
	[tilespmem:$0x16760] =	vst v63  }
0x33: {  	_ =	swait.ge [sflag:s12], $0x7D0  }
0x34: {  	[sflag:s12] =	ssyncset.done $0x0  }
0x35: {  	s21 =	smul.u32 $0x3, s21;
	s22 =	sadd.s32 s2, s22;
	[sflag:s12] =	ssyncadd.s32 $0xFFFFF830  }
0x36: {  	[tilespmem:s13], [sflag:$0x2] =	stream.linear.gather [hbm4b:s22+s24], $0x7D0, $0x38;
	[tilespmem:$0x16760] =	vst v63  }
0x37: {  	_ =	swait.ge [sflag:s12], $0x7D0  }
0x38: {  	s21 =	sshrl.u32 s21, $0x3;
	[sflag:s12] =	ssyncset.done $0x0  }
0x39: {  	s30 =	sadd.s32 s0, s21;
	[sflag:s12] =	ssyncadd.s32 $0xFFFFF830  }
0x3a: {  	[tilespmem:s14], [sflag:$0x2] =	stream.linear.gather [hbm4b:s30+s24], $0x1770, $0x38;
	[tilespmem:$0x16760] =	vst v63  }
0x3b: {  	_ =	swait.ge [sflag:s12], $0x1770  }
0x3c: {  	[sflag:s12] =	ssyncset.done $0x0  }
0x3d: {  	[sflag:s12] =	ssyncadd.s32 $0xFFFFE890  }
0x3e: {  	v9 =	vmov s24;
	[tilespmem:s16], [sflag:$0x1] =	stream.indirect.gather [spmem:s4], $0x8, s11, s15, $0xb8;
	[tilespmem:$0x16760] =	vst v63  }
0x3f: {  	v9 =	vshll.u32 v9, $0x3;
	_ =	swait.ge [sflag:s17], $0x3E80  }
0x40: {  	v10 =	vor.u32 v2, v9;
	[sflag:s17] =	ssyncset.done $0x0  }
0x41: {  	v10 =	vor.u32 v3, v10;
	[sflag:s17] =	ssyncadd.s32 $0xFFFFC180  }
0x42: {  	[tilespmem:s18], [sflag:$0x1] =	stream.indirect.gather [spmem:s4], $0x8, s13, s15, $0xb8;
	[tilespmem:$0x16760] =	vst v63  }
0x43: {  	_ =	swait.ge [sflag:s17], $0x3E80  }
0x44: {  	[sflag:s17] =	ssyncset.done $0x0  }
0x45: {  	[sflag:s17] =	ssyncadd.s32 $0xFFFFC180  }
0x46: {  	v11 =	vld.idx.msk [tilespmem:v10+s18+$0x0], $0xffff  }
0x47: {  	v10 =	vld.idx.msk [tilespmem:v10+s16+$0x0], $0xffff  }
0x48: {  	s22 =	simm.s32 $0xD320  }
0x49: {  	v12 =	vld [tilespmem:s22+$0xFFFFFFD0];
	_ =	sdelay $0x1  }
0x4a: {  	v13 =	vor.u32 v1, v9  }
0x4b: {  	v10 =	vsub.f32 v11, v10;
	v11 =	vor.u32 v4, v13;
	_ =	sdelay $0x1  }
0x4c: {  	v10 =	vadd.f32 v10, v12;
	_ =	sdelay $0x1  }
0x4d: {  	[tilespmem:s22+$0xFFFFFFD0] =	vst v10  }
0x4e: {  	v10 =	vld.idx.msk [tilespmem:v11+s18+$0x0], $0xffff  }
0x4f: {  	v11 =	vld.idx.msk [tilespmem:v11+s16+$0x0], $0xffff;
	_ =	sdelay $0x1  }
0x50: {  	v12 =	vld [tilespmem:s22+$0xFFFFFFE0];
	_ =	sdelay $0x1  }
0x51: {  	v9 =	vor.u32 v0, v9  }
0x52: {  	v9 =	vor.u32 v5, v9;
	v10 =	vsub.f32 v10, v11;
	_ =	sdelay $0x1  }
0x53: {  	v10 =	vadd.f32 v10, v12;
	_ =	sdelay $0x1  }
0x54: {  	[tilespmem:s22+$0xFFFFFFE0] =	vst v10  }
0x55: {  	v10 =	vld.idx.msk [tilespmem:v9+s18+$0x0], $0xffff  }
0x56: {  	v9 =	vld.idx.msk [tilespmem:v9+s16+$0x0], $0xffff  }
0x57: {  	s31 =	simm.s32 $0x10  }
0x58: {  	v11 =	vld [tilespmem:s22+$0xFFFFFFF0];
	v12 =	vmov s31  }
0x59: {  	v12 =	vshll.u32 v12, $0x3  }
0x5a: {  	v13 =	vor.u32 v2, v12  }
0x5b: {  	v9 =	vsub.f32 v10, v9;
	v10 =	vor.u32 v3, v13;
	_ =	sdelay $0x1  }
0x5c: {  	v9 =	vadd.f32 v9, v11;
	_ =	sdelay $0x1  }
0x5d: {  	[tilespmem:s22+$0xFFFFFFF0] =	vst v9  }
0x5e: {  	v9 =	vld.idx.msk [tilespmem:v10+s18+$0x0], $0xffff  }
0x5f: {  	v10 =	vld.idx.msk [tilespmem:v10+s16+$0x0], $0xffff;
	_ =	sdelay $0x1  }
0x60: {  	v11 =	vld [tilespmem:s22+$0x0];
	_ =	sdelay $0x1  }
0x61: {  	v13 =	vor.u32 v1, v12  }
0x62: {  	v9 =	vsub.f32 v9, v10;
	v10 =	vor.u32 v4, v13;
	_ =	sdelay $0x1  }
0x63: {  	v9 =	vadd.f32 v9, v11;
	_ =	sdelay $0x1  }
0x64: {  	[tilespmem:s22+$0x0] =	vst v9  }
0x65: {  	v9 =	vld.idx.msk [tilespmem:v10+s18+$0x0], $0xffff  }
0x66: {  	v10 =	vld.idx.msk [tilespmem:v10+s16+$0x0], $0xffff;
	_ =	sdelay $0x1  }
0x67: {  	v11 =	vld [tilespmem:s22+$0x10];
	_ =	sdelay $0x1  }
0x68: {  	v12 =	vor.u32 v0, v12  }
0x69: {  	v12 =	vor.u32 v5, v12;
	v9 =	vsub.f32 v9, v10;
	_ =	sdelay $0x1  }
0x6a: {  	v10 =	vadd.f32 v9, v11;
	_ =	sdelay $0x1  }
0x6b: {  	[tilespmem:s22+$0x10] =	vst v10  }
0x6c: {  	v10 =	vld.idx.msk [tilespmem:v12+s18+$0x0], $0xffff  }
0x6d: {  	v11 =	vld.idx.msk [tilespmem:v12+s16+$0x0], $0xffff  }
0x6e: {  	s23 =	simm.s32 $0x20  }
0x6f: {  	s25 =	simm.s32 $0x2;
	s24 =	simm.s32 $0xD320;
	v9 =	vld [tilespmem:s22+$0x20];
	v12 =	vmov s23  }
.LBB2_3:
0x70: {  	s25 =	sadd.s32 $0x2, s25;
	v12 =	vshll.u32 v12, $0x3;
	s22 =	sadd.s32 $0x60, s22  }
0x71: {  	p1 =	slt.u32 s25, $0x7A;
	v13 =	vor.u32 v2, v12;
	v14 =	vor.u32 v1, v12;
	v12 =	vor.u32 v0, v12  }
0x72: {  	v10 =	vsub.f32 v10, v11;
	v13 =	vor.u32 v3, v13;
	_ =	sdelay $0x1  }
0x73: {  	v9 =	vadd.f32 v10, v9;
	_ =	sdelay $0x1  }
0x74: {  	[tilespmem:s24+$0x20] =	vst v9;
	s24 =	smov.u32 s22  }
0x75: {  	v9 =	vld.idx.msk [tilespmem:v13+s18+$0x0], $0xffff  }
0x76: {  	v10 =	vld.idx.msk [tilespmem:v13+s16+$0x0], $0xffff;
	_ =	sdelay $0x1  }
0x77: {  	v11 =	vld [tilespmem:s22+$0xFFFFFFD0];
	_ =	sdelay $0x3  }
0x78: {  	v9 =	vsub.f32 v9, v10;
	v10 =	vor.u32 v4, v14;
	_ =	sdelay $0x1  }
0x79: {  	v9 =	vadd.f32 v9, v11;
	_ =	sdelay $0x1  }
0x7a: {  	[tilespmem:s22+$0xFFFFFFD0] =	vst v9  }
0x7b: {  	v9 =	vld.idx.msk [tilespmem:v10+s18+$0x0], $0xffff  }
0x7c: {  	v10 =	vld.idx.msk [tilespmem:v10+s16+$0x0], $0xffff  }
0x7d: {  	v11 =	vld [tilespmem:s22+$0xFFFFFFE0];
	_ =	sdelay $0x4  }
0x7e: {  	v9 =	vsub.f32 v9, v10;
	v10 =	vor.u32 v5, v12;
	_ =	sdelay $0x1  }
0x7f: {  	v9 =	vadd.f32 v9, v11;
	_ =	sdelay $0x1  }
0x80: {  	[tilespmem:s22+$0xFFFFFFE0] =	vst v9;
	v9 =	vld [tilespmem:s22+$0xFFFFFFF0]  }
0x81: {  	v11 =	vld.idx.msk [tilespmem:v10+s18+$0x0], $0xffff  }
0x82: {  	v10 =	vld.idx.msk [tilespmem:v10+s16+$0x0], $0xffff;
	_ =	sdelay $0x1  }
0x83: {  	s26 =	sadd.s32 $0x10, s23  }
0x84: {  	v12 =	vmov s26  }
0x85: {  	v12 =	vshll.u32 v12, $0x3  }
0x86: {  	v13 =	vor.u32 v2, v12;
	v14 =	vor.u32 v1, v12;
	v12 =	vor.u32 v0, v12  }
0x87: {  	v10 =	vsub.f32 v11, v10;
	v11 =	vor.u32 v3, v13;
	_ =	sdelay $0x1  }
0x88: {  	v9 =	vadd.f32 v10, v9;
	_ =	sdelay $0x1  }
0x89: {  	[tilespmem:s22+$0xFFFFFFF0] =	vst v9;
	v9 =	vld [tilespmem:s22+$0x0]  }
0x8a: {  	v10 =	vld.idx.msk [tilespmem:v11+s18+$0x0], $0xffff  }
0x8b: {  	v11 =	vld.idx.msk [tilespmem:v11+s16+$0x0], $0xffff;
	_ =	sdelay $0x5  }
0x8c: {  	v10 =	vsub.f32 v10, v11;
	v11 =	vor.u32 v4, v14;
	_ =	sdelay $0x1  }
0x8d: {  	v9 =	vadd.f32 v10, v9;
	_ =	sdelay $0x1  }
0x8e: {  	[tilespmem:s22+$0x0] =	vst v9;
	v9 =	vld [tilespmem:s22+$0x10]  }
0x8f: {  	v10 =	vld.idx.msk [tilespmem:v11+s18+$0x0], $0xffff  }
0x90: {  	v11 =	vld.idx.msk [tilespmem:v11+s16+$0x0], $0xffff;
	_ =	sdelay $0x5  }
0x91: {  	v10 =	vsub.f32 v10, v11;
	v11 =	vor.u32 v5, v12;
	_ =	sdelay $0x1  }
0x92: {  	v10 =	vadd.f32 v10, v9  }
0x93: {  	v9 =	vld [tilespmem:s22+$0x20]  }
0x94: {  	[tilespmem:s22+$0x10] =	vst v10  }
.Ltmp0:
0x95: {  	v10 =	vld.idx.msk [tilespmem:v11+s18+$0x0], $0xffff;
	(pc) =	sbr.rel @p1 .LBB2_3-.Ltmp0, $3  }
0x96: {  	v11 =	vld.idx.msk [tilespmem:v11+s16+$0x0], $0xffff;
	_ =	sdelay $0x1  }
0x97: {  	s23 =	sadd.s32 $0x20, s23  }
0x98: {  	v12 =	vmov s23  }
0x99: {  	v12 =	vshll.u32 v12, $0x3  }
0x9a: {  	v13 =	vor.u32 v2, v12  }
0x9b: {  	v10 =	vsub.f32 v10, v11;
	v13 =	vor.u32 v3, v13;
	_ =	sdelay $0x1  }
0x9c: {  	v9 =	vadd.f32 v10, v9;
	_ =	sdelay $0x1  }
0x9d: {  	[tilespmem:s24+$0x20] =	vst v9  }
0x9e: {  	v9 =	vld.idx.msk [tilespmem:v13+s18+$0x0], $0xffff  }
0x9f: {  	v10 =	vld.idx.msk [tilespmem:v13+s16+$0x0], $0xffff  }
0xa0: {  	s22 =	sadd.s32 $0x60, s22  }
0xa1: {  	v11 =	vld [tilespmem:s22+$0xFFFFFFD0];
	_ =	sdelay $0x1  }
0xa2: {  	v60 =	vor.u32 v1, v12  }
0xa3: {  	v9 =	vsub.f32 v9, v10;
	v10 =	vor.u32 v4, v60;
	_ =	sdelay $0x1  }
0xa4: {  	v9 =	vadd.f32 v9, v11;
	_ =	sdelay $0x1  }
0xa5: {  	[tilespmem:s22+$0xFFFFFFD0] =	vst v9  }
0xa6: {  	v9 =	vld.idx.msk [tilespmem:v10+s18+$0x0], $0xffff  }
0xa7: {  	v10 =	vld.idx.msk [tilespmem:v10+s16+$0x0], $0xffff;
	_ =	sdelay $0x1  }
0xa8: {  	v11 =	vld [tilespmem:s22+$0xFFFFFFE0];
	_ =	sdelay $0x1  }
0xa9: {  	v12 =	vor.u32 v0, v12  }
0xaa: {  	v9 =	vsub.f32 v9, v10;
	v10 =	vor.u32 v5, v12;
	_ =	sdelay $0x1  }
0xab: {  	v9 =	vadd.f32 v9, v11;
	_ =	sdelay $0x1  }
0xac: {  	[tilespmem:s22+$0xFFFFFFE0] =	vst v9  }
0xad: {  	v9 =	vld.idx.msk [tilespmem:v10+s18+$0x0], $0xffff  }
0xae: {  	v10 =	vld.idx.msk [tilespmem:v10+s16+$0x0], $0xffff  }
0xaf: {  	s23 =	sadd.s32 $0x10, s23  }
0xb0: {  	v61 =	vmov s23;
	v11 =	vld [tilespmem:s22+$0xFFFFFFF0]  }
0xb1: {  	v12 =	vshll.u32 v61, $0x3  }
0xb2: {  	v62 =	vor.u32 v2, v12  }
0xb3: {  	v9 =	vsub.f32 v9, v10;
	v10 =	vor.u32 v3, v62;
	_ =	sdelay $0x1  }
0xb4: {  	v9 =	vadd.f32 v9, v11;
	_ =	sdelay $0x1  }
0xb5: {  	[tilespmem:s22+$0xFFFFFFF0] =	vst v9  }
0xb6: {  	v9 =	vld.idx.msk [tilespmem:v10+s18+$0x0], $0xffff  }
0xb7: {  	v10 =	vld.idx.msk [tilespmem:v10+s16+$0x0], $0xffff;
	_ =	sdelay $0x1  }
0xb8: {  	v11 =	vld [tilespmem:s22+$0x0];
	_ =	sdelay $0x1  }
0xb9: {  	v63 =	vor.u32 v1, v12  }
0xba: {  	v9 =	vsub.f32 v9, v10;
	v10 =	vor.u32 v4, v63;
	_ =	sdelay $0x1  }
0xbb: {  	v9 =	vadd.f32 v9, v11;
	_ =	sdelay $0x1  }
0xbc: {  	[tilespmem:s22+$0x0] =	vst v9  }
0xbd: {  	v9 =	vld.idx.msk [tilespmem:v10+s18+$0x0], $0xffff  }
0xbe: {  	v10 =	vld.idx.msk [tilespmem:v10+s16+$0x0], $0xffff;
	_ =	sdelay $0x1  }
0xbf: {  	v11 =	vld [tilespmem:s22+$0x10];
	_ =	sdelay $0x1  }
0xc0: {  	v12 =	vor.u32 v0, v12  }
0xc1: {  	v9 =	vsub.f32 v9, v10;
	v10 =	vor.u32 v5, v12;
	_ =	sdelay $0x1  }
0xc2: {  	v9 =	vadd.f32 v9, v11;
	_ =	sdelay $0x1  }
0xc3: {  	[tilespmem:s22+$0x10] =	vst v9  }
0xc4: {  	v9 =	vld.idx.msk [tilespmem:v10+s18+$0x0], $0xffff  }
0xc5: {  	v10 =	vld.idx.msk [tilespmem:v10+s16+$0x0], $0xffff;
	_ =	sdelay $0x1  }
0xc6: {  	v11 =	vld [tilespmem:s22+$0x20];
	_ =	sdelay $0x2  }
0xc7: {  	v9 =	vsub.f32 v9, v10;
	_ =	sdelay $0x1  }
0xc8: {  	v9 =	vadd.f32 v9, v11;
	_ =	sdelay $0x1  }
0xc9: {  	[tilespmem:s22+$0x20] =	vst v9  }
0xca: {  	v9 =	vld.idx.msk [tilespmem:v6+s18+$0x0], $0xffff  }
0xcb: {  	v10 =	vld.idx.msk [tilespmem:v6+s16+$0x0], $0xffff;
	_ =	sdelay $0x1  }
0xcc: {  	v11 =	vld [tilespmem:$0xEA30];
	_ =	sdelay $0x2  }
0xcd: {  	v9 =	vsub.f32 v9, v10;
	_ =	sdelay $0x1  }
0xce: {  	v9 =	vadd.f32 v9, v11;
	_ =	sdelay $0x1  }
0xcf: {  	[tilespmem:$0xEA30] =	vst v9  }
0xd0: {  	v9 =	vld.idx.msk [tilespmem:v7+s18+$0x0], $0xffff  }
0xd1: {  	v10 =	vld.idx.msk [tilespmem:v7+s16+$0x0], $0xffff;
	_ =	sdelay $0x1  }
0xd2: {  	v11 =	vld [tilespmem:$0xEA40];
	_ =	sdelay $0x2  }
0xd3: {  	v9 =	vsub.f32 v9, v10;
	_ =	sdelay $0x1  }
0xd4: {  	v9 =	vadd.f32 v9, v11;
	_ =	sdelay $0x1  }
0xd5: {  	[tilespmem:$0xEA40] =	vst v9  }
0xd6: {  	v9 =	vld.idx.msk [tilespmem:v8+s18+$0x0], $0xffff  }
0xd7: {  	v10 =	vld.idx.msk [tilespmem:v8+s16+$0x0], $0xffff;
	_ =	sdelay $0x1  }
0xd8: {  	v11 =	vld [tilespmem:$0xEA50];
	_ =	sdelay $0x2  }
0xd9: {  	v9 =	vsub.f32 v9, v10;
	_ =	sdelay $0x1  }
0xda: {  	s20 =	sadd.s32 $0x1, s20;
	v9 =	vadd.f32 v9, v11  }
0xdb: {  	p1 =	sne.s32 s20, $0x64  }
.Ltmp1:
0xdc: {  	s21 =	sadd.s32 s7, s21;
	[tilespmem:$0xEA50] =	vst v9;
	(pc) =	sbr.rel @p1 .LBB2_2-.Ltmp1, $4  }
0xdd: {  	[hbm4b:s21+s5] =	stream.linear.scatter [tilespmem:s14], [sflag:$0x2], $0x1770, $0x38;
	[tilespmem:$0x16760] =	vst v63  }
0xde: {  	_ =	swait.ge [sflag:s12], $0x1770  }
0xdf: {  	[sflag:s12] =	ssyncset.done $0x0  }
0xe0: {  	[sflag:s12] =	ssyncadd.s32 $0xFFFFE890  }
0xe1: {  	s19 =	sadd.s32 $0x1, s19  }
0xe2: {  	p1 =	sne.s32 s19, s9  }
.Ltmp2:
0xe3: {  	_ = 	snop;
	(pc) =	sbr.rel @p1 .LBB2_1-.Ltmp2, $1  }
0xe4: {  	_ =	sdelay $0x3  }
0xe5: {  	_ =	sfence.sel $0x180000  }
0xe6: {  	[bflag:$0x0] =	sbarrier.arrive $0xFFFF  }
0xe7: {  	_ =	strace $0x90000047  }
0xe8: {  	s0 =	sadd.s32 @!p0 $0x100000, s3;
	[bflag:$0x2] =	sbarrier.arrive $0xFFFF  }
0xe9: {  	[sflag:s0] =	ssyncadd.tile.s32 @!p0 $0x1;
	_ =	shalt  }
.Lfunc_end2:
_tile_overlayer_lowered:
.L_overlay_start_2:
0xea: {  	(tag) =	ssettag $0x2  }
0xeb: {  	s0 =	rddreg [dreg:$0x0];
	s2 =	stileid.u32  }
0xec: {  	s1 =	rddreg [dreg:$0x1];
	p0 =	sne.s32 s2, $0x0  }
0xed: {  	s3 =	rddreg [dreg:$0x2];
	[bflag:$0x3] =	sbarrier.arrive $0xFFFF;
	s2 =	simm.s32 @!p0 $0x1C02  }
0xee: {  	[timem:s3], [sflag:s2] =	dma.local @!p0 [hbm:s0], s1  }
0xef: {  	s0 =	simm.s32 @!p0 $0x2  }
0xf0: {  	_ =	swait.ge @!p0 [sflag:s0], s1  }
0xf1: {  	s1 =	ssub.s32 @!p0 $0x0, s1;
	[sflag:s0] =	ssyncset.done @!p0 $0x0  }
0xf2: {  	[sflag:s0] =	ssyncadd.s32 @!p0 s1  }
0xf3: {  	[bflag:$0x3] =	sbarrier.arrive $0xFFFF  }
0xf4: {  	_ =	shalt  }

// kernel: sparse-core-data-format-call.cloned.1.call-start
scs
called_computation_lowered:
.L_overlay_start_0:
0x0: {  	s2 =	sld [smem:$0x3FD9]  }
0x1: {  	s3 =	sld [smem:$0x3FFE];
	_ =	sdelay $0x1  }
0x2: {  	s1 =	srdreg.scid  }
0x3: {  	s0 =	sand.u32 $0x1, s1  }
0x4: {  	s18 =	sshll.u32 s0, $0xA;
	s2 =	sadd.s32 s3, s2  }
0x5: {  	s2 =	sadd.s32 s2, s18  }
0x6: {  	[smem:$0x3FC4] =	sst s2  }
0x7: {  	_ = 	snop  }
0x8: {  	s2 =	sld [smem:$0x3FD0];
	(tm) =	ssettm $0x1  }
0x9: {  	s19 =	sld [smem:$0x3FFB];
	_ =	sdelay $0x3  }
0xa: {  	_ =	strace s19  }
0xb: {  	s3 =	sld [smem:$0x3FFC];
	_ =	sdelay $0x3  }
0xc: {  	_ =	strace s3  }
0xd: {  	s3 =	sld [smem:$0x3FFD];
	_ =	sdelay $0x3  }
0xe: {  	_ =	strace s3  }
0xf: {  	_ =	strace $0x8FFFFFFF  }
0x10: {  	s20 =	sld [smem:$0x3FDB];
	_ =	sdelay $0x1  }
0x11: {  	s4 =	simm.s32 $_scs_section_size  }
0x12: {  	s5 =	simm.s32 $_size__tile_overlayer_lowered;
	s6 =	simm.s32 $_tile_overlayer_lowered  }
0x13: {  	s23 =	simm.s32 $0x1BFF;
	s22 =	sshll.u32 s6, $0x1;
	s3 =	sadd.s32 s4, s20  }
0x14: {  	s7 =	simm.s32 $0x0;
	s21 =	sshll.u32 s5, $0x1;
	s5 =	sadd.s32 s22, s3  }
0x15: {  	[timem:s7], [sflag:s23] =	dma.local [hbm:s5], s21  }
0x16: {  	_ =	swait.ge [sflag:s23], s21  }
0x17: {  	s4 =	ssub.s32 $0x0, s21;
	[sflag:s23] =	ssyncset.done $0x0  }
0x18: {  	[sflag:s23] =	ssyncadd.s32 s4;
	_ =	sdelay $0x1  }
0x19: {  	s24 =	simm.s32 $0x1B8B  }
0x1a: {  	_ =	swait.ge [sflag:s24], $0x1  }
0x1b: {  	[sflag:s24] =	ssyncset.done $0x0  }
0x1c: {  	s26 =	simm.s32 $0x1B8E;
	s25 =	sld [smem:$0x3FFE];
	[sflag:s24] =	ssyncadd.s32 $0xFFFFFFFF  }
0x1d: {  	s27 =	simm.s32 $execute0_lowered;
	[smem:$0x3FD2] =	sst s26  }
0x1e: {  	s5 =	sshll.u32 s27, $0x1;
	_ =	strace $0x80000049;
	[dreg:$0x1] =	wrdreg $0xFFFFFFFF  }
0x1f: {  	s28 =	simm.s32 $_size_execute0_lowered;
	s3 =	sadd.s32 s3, s5;
	[dreg:$0x0] =	wrdreg $0x0  }
0x20: {  	s5 =	sshll.u32 s28, $0x1;
	[dreg:$0x2] =	wrdreg s3  }
0x21: {  	[dreg:$0x3] =	wrdreg s5  }
0x22: {  	[dreg:$0x4] =	wrdreg $0xC0  }
0x23: {  	_ =	task [dreg:s7], $0x5FFFF  }
0x24: {  	[dreg:$0x1] =	wrdreg $0xFFFFFFFF  }
0x25: {  	[dreg:$0x0] =	wrdreg $0x60  }
0x26: {  	[dreg:$0x2] =	wrdreg s25  }
0x27: {  	[dreg:$0x3] =	wrdreg s2  }
0x28: {  	[dreg:$0x4] =	wrdreg $0x9  }
0x29: {  	_ =	task.clear_ibuf [dreg:s7], $0x5FFFF;
	_ =	strace $0x90000049  }
0x2a: {  	s29 =	simm.s32 $0x9;
	_ =	strace $0x8000004B  }
0x2b: {  	_ =	swait.ge [sflag:s29], $0x1  }
0x2c: {  	[sflag:s29] =	ssyncadd.s32 $0xFFFFFFFF  }
0x2d: {  	_ =	strace $0x9000004B  }
0x2e: {  	_ =	sfence  }
0x2f: {  	s30 =	sld [smem:$0x0];
	_ =	sdelay $0x2  }
0x30: {  	s31 =	sshll.u32 s1, $0xD;
	s1 =	sshrl.u32 s1, $0x2  }
0x31: {  	s3 =	sand.u32 $0x4000, s31;
	s1 =	sadd.s32 s1, s30  }
0x32: {  	s0 =	sor.u32 s3, s0;
	s1 =	sshll.u32 s1, $0x11  }
0x33: {  	s0 =	sor.u32 s1, s0  }
0x34: {  	s0 =	sadd.s32 $0x8F2B, s0  }
0x35: {  	[sflag:s0] =	ssyncadd.remote.s32 $0x1  }
0x36: {  	_ =	sfence.sel $0xFFFF  }
0x37: {  	[dreg:$0x0] =	wrdreg $0xFFFFFFFF;
	(pc) =	sbr.abs _section_cstart, $3  }
0x38: {  	[dreg:$0x1] =	wrdreg $0xFFFFFFFF  }
0x39: {  	_ =	task.clear_ibuf [dreg:s7], $0x2FFFF;
	_ =	strace $0x9FFFFFFF  }
0x3a: {  	(tm) =	ssettm $0x7FFFFFFF  }
0x3b: {  	_ =	shalt  }
tec
execute0_lowered:
.L_overlay_start_1:
0x0: {  	(tag) =	ssettag $0x1  }
0x1: {  	s0 =	srdreg.scid  }
0x2: {  	s5 =	rddreg [dreg:$0x0];
	s1 =	sshll.u32 s0, $0x4  }
0x3: {  	s2 =	rddreg [dreg:$0x1];
	s0 =	stileid.u32;
	s1 =	sand.u32 $0x10, s1  }
0x4: {  	s4 =	simm.s32 $0x1;
	s8 =	simm.s32 $0x2;
	s1 =	sor.u32 s0, s1  }
0x5: {  	s12 =	simm.s32 $0x0;
	s9 =	simm.s32 $0x0;
	s3 =	sshll.u32 s1, $0x7  }
0x6: {  	s11 =	simm.s32 $0x0;
	s5 =	sadd.s32 $0x3E9A00, s5;
	s6 =	ssub.s32 $0x61A800, s3  }
.Ltmp0:
0x7: {  	s1 =	rddreg [dreg:$0x2];
	s7 =	sand.u32 $0xF80, s6;
	(pc) =	sbr.rel .LBB1_1-.Ltmp0, $4  }
0x8: {  	_ =	strace $0x8000004A;
	p0 =	sne.s32 s7, $0x0;
	s7 =	simm.s32 $0x1  }
0x9: {  	[sflag:s4] =	ssyncpa.u1 $0x0;
	s6 =	sshrl.u32 s6, $0xC;
	s7 =	simm.s32 @!p0 $0x0  }
0xa: {  	s10 =	smov.u32 s3;
	[sflag:s8] =	ssyncpa.u1 $0x0;
	s6 =	sadd.s32 s7, s6  }
0xb: {  	s8 =	simm.s32 $0x186A000;
	p0 =	por $0x0, $0x0;
	s7 =	sadd.s32 $0x1, s6  }
.LBB1_4:
0xc: {  	s15 =	sshll.u32 s9, $0x2;
	p1 =	sgt.s32 s9, $0x61A780  }
0xd: {  	s17 =	smov.u32 s9;
	s18 =	sshra.s32 s9, $0x1F;
	s16 =	sshrl.u32 s15, $0xB  }
0xe: {  	s17 =	simm.s32 @!p1 $0x61A780;
	s18 =	sand.u32 s18, s9;
	s16 =	smulhi.u32 $0x14F8B6, s16  }
0xf: {  	s19 =	sand.u32 $0x7F, s9;
	s15 =	sand.u32 $0xFFFFFE00, s15;
	s17 =	ssub.s32 s17, s18  }
0x10: {  	s17 =	sadd.s32 $0xFF9E5880, s17;
	s26 =	smul.u32 $0x61A800, s16  }
0x11: {  	s15 =	sor.u32 s19, s15;
	s16 =	sand.u32 $0x3, s16;
	s27 =	sshll.u32 s17, $0x4  }
0x12: {  	s28 =	ssub.s32 $0x800, s27;
	s16 =	smul.u32 $0xC3500, s16;
	s15 =	ssub.s32 s15, s26  }
0x13: {  	p1 =	sgt.s32 s17, $0x7F;
	s17 =	sshrl.u32 s28, $0x2;
	s29 =	sand.u32 $0x7, s15  }
0x14: {  	s15 =	sshrl.u32 s15, $0x3;
	s16 =	sadd.s32 s2, s16;
	s18 =	sshll.u32 s29, $0x12  }
0x15: {  	[tilespmem:s14+$0x0 ss:$0x81] =	vst.msk $0xffff, v0;
	s17 =	simm.s32 @p1 $0x0;
	s30 =	sadd.s32 s15, s16;
	s31 =	sor.u32 $0x200, s18  }
0x16: {  	[hbm4b:s30+s31] =	stream.strided.scatter [tilespmem:s13], [sflag:$0x2], s17, s8, s31, $0x20;
	[tilespmem:$0x4040] =	vst v63  }
.LBB1_5:
0x17: {  	p1 =	slt.u32 s11, $0x2  }
0x18: {  	p2 =	sgt.s32 @!p1 s12, $0x61A780  }
0x19: {  	s13 =	smov.u32 s12;
	s14 =	sshra.s32 @!p1 s12, $0x1F;
	p2 =	por !p2, p1  }
0x1a: {  	s12 =	sand.u32 @!p1 s14, s12;
	s13 =	simm.s32 @p2 $0x61A780  }
0x1b: {  	s12 =	ssub.s32 @!p1 s13, s12  }
0x1c: {  	s12 =	sadd.s32 @!p1 $0xFF9E5880, s12  }
0x1d: {  	s13 =	sshll.u32 @!p1 s12, $0x4  }
0x1e: {  	p2 =	sgt.s32 @!p1 s12, $0x7F;
	s12 =	ssub.s32 @!p1 $0x800, s13  }
0x1f: {  	s14 =	sadd.s32 $0x1000, s10;
	p2 =	por !p2, p1;
	s12 =	sshrl.u32 @!p1 s12, $0x2  }
0x20: {  	s12 =	simm.s32 @!p2 $0x0;
	p2 =	sgt.s32 s14, $0x61A7FF  }
0x21: {  	s14 =	smov.u32 @p2 s3;
	p2 =	sne.s32 s11, s7  }
.Ltmp1:
0x22: {  	_ = 	snop;
	(pc) =	sbr.rel @!p2 .LBB1_6-.Ltmp1, $4  }
0x23: {  	s13 =	simm.s32 @!p1 $0x2  }
0x24: {  	p0 =	por !p0, !p0;
	_ =	swait.ge @!p1 [sflag:s13], s12;
	s15 =	ssub.s32 @!p1 $0x0, s12  }
0x25: {  	s12 =	smov.u32 s9;
	s11 =	sadd.s32 $0x1, s11;
	[sflag:s13] =	ssyncset.done @!p1 $0x0  }
0x26: {  	s9 =	smov.u32 s10;
	s10 =	smov.u32 s14;
	[sflag:s13] =	ssyncadd.s32 @!p1 s15  }
.LBB1_1:
0x27: {  	p1 =	sge.u32 s11, s6  }
0x28: {  	s13 =	sand.u32 @!p1 $0x1FFFFFF, s10  }
0x29: {  	s14 =	smulhi.u32 @!p1 $0x14F8B59, s13;
	_ =	sdelay $0x1  }
0x2a: {  	s14 =	sshrl.u32 @!p1 s14, $0xF  }
0x2b: {  	s14 =	smul.u32 @!p1 $0x61A800, s14;
	_ =	sdelay $0x1  }
0x2c: {  	s31 =	sadd.s32 $0xFFFFFFFF, s11;
	s15 =	sxor.u32 @!p1 $0xFFFFFFFF, s11;
	s13 =	ssub.s32 @!p1 s13, s14  }
0x2d: {  	s16 =	simm.s32 @!p1 $0x80;
	s15 =	sshll.u32 @!p1 s15, $0xC;
	s13 =	sshll.u32 @!p1 s13, $0x4  }
0x2e: {  	s14 =	sand.u32 @!p1 $0x1000, s15;
	s15 =	simm.s32 @!p1 $0x20;
	s13 =	sadd.s32 @!p1 s5, s13  }
0x2f: {  	[tilespmem:s14], [sflag:$0x1] =	stream.strided.gather @!p1 [hbm4b:s13+s15], $0x1000, s16, s15, $0x38;
	[tilespmem:$0x4040] =	vst v63  }
0x30: {  	p1 =	sge.u32 s31, s6  }
.Ltmp2:
0x31: {  	_ = 	snop;
	(pc) =	sbr.rel @p1 .LBB1_5-.Ltmp2, $1  }
0x32: {  	_ =	sdelay $0x3  }
0x33: {  	s13 =	simm.s32 $0x1  }
0x34: {  	_ =	swait.ge [sflag:s4], $0x1000;
	s13 =	simm.s32 @!p0 $0x0  }
0x35: {  	[sflag:s4] =	ssyncset.done $0x0;
	s14 =	sshll.u32 s13, $0xC  }
0x36: {  	[sflag:s4] =	ssyncadd.s32 $0xFFFFF000;
	s17 =	sor.u32 $0x10, s14  }
0x37: {  	s13 =	smul.u32 $0x4080, s13;
	v1 =	vld [tilespmem:s17+$0x0]  }
0x38: {  	s30 =	sand.u32 $0x1, s11;
	v0 =	vld [tilespmem:s17+$0xFFFFFFF0]  }
0x39: {  	s14 =	smul.u32 $0x4080, s30;
	s13 =	sshrl.u32 s13, $0x2  }
0x3a: {  	s15 =	sor.u32 $0x2000, s13  }
0x3b: {  	s31 =	sshrl.u32 s14, $0x2;
	s14 =	sadd.s32 $0x0, s15  }
0x3c: {  	s16 =	simm.s32 $0x4;
	s17 =	sadd.s32 $0x20, s17;
	s13 =	sor.u32 $0x2000, s31;
	[tilespmem:s14+$0x810 ss:$0x81] =	vst.msk $0xffff, v1  }
.LBB1_3:
0x3d: {  	v1 =	vld [tilespmem:s17+$0x0];
	p1 =	sne.s32 s16, $0x1FC;
	[tilespmem:s14+$0x0 ss:$0x81] =	vst.msk $0xffff, v0;
	s14 =	smov.u32 s16;
	s16 =	sadd.s32 $0x4, s16  }
.Ltmp3:
0x3e: {  	v0 =	vld [tilespmem:s17+$0xFFFFFFF0];
	(pc) =	sbr.rel @p1 .LBB1_3-.Ltmp3, $4  }
0x3f: {  	_ = 	snop  }
0x40: {  	s14 =	sshra.s32 s14, $0x2  }
0x41: {  	s14 =	sadd.s32 s14, s15  }
0x42: {  	s17 =	sadd.s32 $0x20, s17;
	[tilespmem:s14+$0x810 ss:$0x81] =	vst.msk $0xffff, v1  }
.Ltmp4:
0x43: {  	_ = 	snop;
	(pc) =	sbr.rel .LBB1_4-.Ltmp4, $1  }
0x44: {  	_ =	sdelay $0x3  }
.LBB1_6:
0x45: {  	_ =	sfence.sel $0x180000  }
0x46: {  	s2 =	simm.s32 $0x1;
	[bflag:$0x0] =	sbarrier.arrive $0xFFFF  }
0x47: {  	s31 =	simm.s32 $0x2;
	[sflag:s2] =	ssyncpa.u1 $0x1  }
0x48: {  	[sflag:s31] =	ssyncpa.u1 $0x1  }
0x49: {  	p0 =	sne.s32 s0, $0x0;
	_ =	strace $0x9000004A  }
0x4a: {  	s0 =	sadd.s32 @!p0 $0x100000, s1;
	[bflag:$0x2] =	sbarrier.arrive $0xFFFF  }
0x4b: {  	[sflag:s0] =	ssyncadd.tile.s32 @!p0 $0x1;
	_ =	shalt  }
.Lfunc_end1:
_tile_overlayer_lowered:
.L_overlay_start_2:
0x4c: {  	(tag) =	ssettag $0x2  }
0x4d: {  	s0 =	rddreg [dreg:$0x0];
	s2 =	stileid.u32  }
0x4e: {  	s1 =	rddreg [dreg:$0x1];
	p0 =	sne.s32 s2, $0x0  }
0x4f: {  	s3 =	rddreg [dreg:$0x2];
	[bflag:$0x3] =	sbarrier.arrive $0xFFFF;
	s2 =	simm.s32 @!p0 $0x1C01  }
0x50: {  	[timem:s3], [sflag:s2] =	dma.local @!p0 [hbm:s0], s1  }
0x51: {  	s0 =	simm.s32 @!p0 $0x1  }
0x52: {  	_ =	swait.ge @!p0 [sflag:s0], s1  }
0x53: {  	s1 =	ssub.s32 @!p0 $0x0, s1;
	[sflag:s0] =	ssyncset.done @!p0 $0x0  }
0x54: {  	[sflag:s0] =	ssyncadd.s32 @!p0 s1  }
0x55: {  	[bflag:$0x3] =	sbarrier.arrive $0xFFFF  }
0x56: {  	_ =	shalt  }

</sc_bundles>
